<compile_context>
chip_gen: v7x
topology: tpu7x:2x2x1
jax: 0.10.2.dev20260603
libtpu: 0.0.44.dev20260713+nightly
codegen_flags: <defaults>
</compile_context>

<pallas_src>
import functools

import jax
import jax.numpy as jnp
from jax import lax
from jax.experimental import pallas as pl
from jax.experimental.pallas import tpu as pltpu
from jax.experimental.pallas import tpu_sc as plsc

N = 4096
D = 256
K = 2048
H = N // 2

_BI = 512
_BP = 512
_BM = 512


def _rank_body(h_ref, w_ref, b_ref, r_ref, s2_ref, sc_ref, sr_ref):
    i = pl.program_id(0)

    @pl.when(i == 0)
    def _():
        b0 = b_ref[0, 0]
        sc_ref[...] = jax.nn.sigmoid(
            jnp.dot(h_ref[...], w_ref[...],
                    preferred_element_type=jnp.float32) + b0)
        sr_ref[...] = jax.nn.sigmoid(
            lax.dot_general(w_ref[...], h_ref[...], (((0,), (1,)), ((), ())),
                            preferred_element_type=jnp.float32) + b0)
        s2_ref[...] = sr_ref[...]

    s_i = sc_ref[pl.ds(i * _BI, _BI), :]
    s_j = sr_ref[...]
    jj = lax.broadcasted_iota(jnp.int32, (_BI, N), 1)
    ii = i * _BI + lax.broadcasted_iota(jnp.int32, (_BI, N), 0)
    ahead = (s_j > s_i) | ((s_j == s_i) & (jj < ii))
    r_ref[...] = jnp.sum(ahead.astype(jnp.int32), axis=1, keepdims=True)


def _inv_body(r_row_ref, s_row_ref, idx_ref, val_ref):
    p = pl.program_id(0)
    rr = r_row_ref[...]
    ss = s_row_ref[...]
    pp = p * _BI + lax.broadcasted_iota(jnp.int32, (_BI, N), 0)
    jj = lax.broadcasted_iota(jnp.int32, (_BI, N), 1)
    m = rr == pp
    idx_ref[...] = jnp.sum(jnp.where(m, jj, 0), axis=1, keepdims=True)
    val_ref[...] = jnp.sum(jnp.where(m, ss, 0.0), axis=1, keepdims=True)


_RB = 256


def _prep_body(g_ref, up_ref, utp_ref):
    i = pl.program_id(0)
    graw = g_ref[...]
    lo = (graw[:, :H] != 0).astype(jnp.int32)
    hi = (graw[:, H:] != 0).astype(jnp.int32)
    up_ref[...] = lo + 2 * hi
    u_bf = (graw != 0).astype(jnp.bfloat16)
    eye = (lax.broadcasted_iota(jnp.int32, (_RB, _RB), 0)
           == lax.broadcasted_iota(jnp.int32, (_RB, _RB), 1)
           ).astype(jnp.bfloat16)
    ut = lax.dot_general(u_bf, eye, (((0,), (0,)), ((), ())),
                         preferred_element_type=jnp.float32)
    uti = ut.astype(jnp.int32)

    @pl.when(i % 2 == 0)
    def _():
        utp_ref[...] = uti

    @pl.when(i % 2 == 1)
    def _():
        utp_ref[...] += 2 * uti


def _mmf_body(r_ref, ct_ref, hg_ref, val_ref, g_ref, h_ref, deg_ref):
    j = pl.program_id(1)
    rp = r_ref[...]
    cp = ct_ref[...]
    rlo = (rp & 1).astype(jnp.bfloat16)
    rhi = (rp >> 1).astype(jnp.bfloat16)
    clo = (cp & 1).astype(jnp.bfloat16)
    chi = (cp >> 1).astype(jnp.bfloat16)
    dims = (((1,), (1,)), ((), ()))
    acc = lax.dot_general(rlo, clo, dims,
                          preferred_element_type=jnp.float32)
    acc = acc + lax.dot_general(rhi, chi, dims,
                                preferred_element_type=jnp.float32)
    bin_f = (acc != 0).astype(jnp.float32)
    part = jnp.sum(bin_f, axis=1, keepdims=True)

    @pl.when(j == 0)
    def _():
        deg_ref[...] = part
        g_ref[:, pl.ds(0, _BM)] = bin_f

    @pl.when((j != 0) & (j != 3))
    def _():
        deg_ref[...] += part
        g_ref[:, pl.ds(j * _BM, _BM)] = bin_f

    @pl.when(j == 3)
    def _():
        d = deg_ref[...] + part
        rec = 1.0 / jnp.where(d == 0, 1.0, d)
        g_ref[:, pl.ds(0, 3 * _BM)] *= rec
        g_ref[:, pl.ds(3 * _BM, _BM)] = bin_f * rec
        h_ref[...] = hg_ref[...] * val_ref[...]


def _make_sc_gather(nc, ns):
    nw = nc * ns
    rpw = K // nw
    chunk = rpw // 4
    mesh = plsc.VectorSubcoreMesh(core_axis_name="c", subcore_axis_name="s")

    @functools.partial(
        pl.kernel, mesh=mesh,
        out_type=[
            jax.ShapeDtypeStruct((K, H), jnp.int32),
            jax.ShapeDtypeStruct((K, H), jnp.int32),
            jax.ShapeDtypeStruct((K, D), jnp.float32),
        ],
        scratch_types=[
            pltpu.VMEM((rpw,), jnp.int32),
            pltpu.VMEM((chunk, H), jnp.int32),
            pltpu.VMEM((chunk, H), jnp.int32),
            pltpu.VMEM((rpw, D), jnp.float32),
            pltpu.SemaphoreType.DMA,
            pltpu.SemaphoreType.DMA,
            pltpu.SemaphoreType.DMA,
        ],
    )
    def sc_gather(up, utp, h, idx, rp_out, ctp_out, hg_out,
                  idx_v, buf0, buf1, hbuf, sem_g, sem_w0, sem_w1):
        wid = lax.axis_index("s") * nc + lax.axis_index("c")
        base = wid * rpw
        pltpu.sync_copy(idx.at[pl.ds(base, rpw)], idx_v)
        pltpu.async_copy(h.at[idx_v], hbuf, sem_g).wait()
        pltpu.sync_copy(hbuf, hg_out.at[pl.ds(base, rpw)])
        bufs = (buf0, buf1)
        wsems = (sem_w0, sem_w1)
        pending = [None, None]
        t = 0
        for src, dst in ((up, rp_out), (utp, ctp_out)):
            for c in range(4):
                sl = t % 2
                if pending[sl] is not None:
                    pending[sl].wait()
                iv = idx_v.at[pl.ds(c * chunk, chunk)]
                pltpu.async_copy(src.at[iv], bufs[sl], sem_g).wait()
                pending[sl] = pltpu.async_copy(
                    bufs[sl], dst.at[pl.ds(base + c * chunk, chunk)], wsems[sl])
                t += 1
        pending[0].wait()
        pending[1].wait()

    return sc_gather


def kernel(g, h, W, b):
    f32 = jnp.float32
    r, s2 = pl.pallas_call(
        _rank_body,
        grid=(N // _BI,),
        in_specs=[
            pl.BlockSpec((N, D), lambda i: (0, 0)),
            pl.BlockSpec((D, 1), lambda i: (0, 0)),
            pl.BlockSpec((1, 1), lambda i: (0, 0)),
        ],
        out_specs=[
            pl.BlockSpec((_BI, 1), lambda i: (i, 0)),
            pl.BlockSpec((1, N), lambda i: (0, 0)),
        ],
        out_shape=[
            jax.ShapeDtypeStruct((N, 1), jnp.int32),
            jax.ShapeDtypeStruct((1, N), f32),
        ],
        scratch_shapes=[
            pltpu.VMEM((N, 1), f32),
            pltpu.VMEM((1, N), f32),
        ],
    )(h, W, b.reshape(1, 1))
    r2 = r.reshape(1, N)

    idxf, vals = pl.pallas_call(
        _inv_body,
        grid=(K // _BI,),
        in_specs=[
            pl.BlockSpec((1, N), lambda i: (0, 0)),
            pl.BlockSpec((1, N), lambda i: (0, 0)),
        ],
        out_specs=[
            pl.BlockSpec((_BI, 1), lambda i: (i, 0)),
            pl.BlockSpec((_BI, 1), lambda i: (i, 0)),
        ],
        out_shape=[
            jax.ShapeDtypeStruct((K, 1), jnp.int32),
            jax.ShapeDtypeStruct((K, 1), f32),
        ],
    )(r2, s2)
    idx = idxf.reshape(K)

    up, utp = pl.pallas_call(
        _prep_body,
        grid=(N // _RB,),
        in_specs=[
            pl.BlockSpec((_RB, N), lambda i: ((i // 2) + (i % 2) * 8, 0)),
        ],
        out_specs=[
            pl.BlockSpec((_RB, H), lambda i: ((i // 2) + (i % 2) * 8, 0)),
            pl.BlockSpec((N, _RB), lambda i: (0, i // 2)),
        ],
        out_shape=[
            jax.ShapeDtypeStruct((N, H), jnp.int32),
            jax.ShapeDtypeStruct((N, H), jnp.int32),
        ],
    )(g)

    info = plsc.get_sparse_core_info()
    sc_gather = _make_sc_gather(info.num_cores, info.num_subcores)
    Rp, CTp, Hg = sc_gather(up, utp, h, idx)

    g_new, new_h = pl.pallas_call(
        _mmf_body,
        grid=(K // _BM, K // _BM),
        in_specs=[
            pl.BlockSpec((_BM, H), lambda i, j: (i, 0)),
            pl.BlockSpec((_BM, H), lambda i, j: (j, 0)),
            pl.BlockSpec((_BM, D), lambda i, j: (i, 0)),
            pl.BlockSpec((_BM, 1), lambda i, j: (i, 0)),
        ],
        out_specs=[
            pl.BlockSpec((_BM, K), lambda i, j: (i, 0)),
            pl.BlockSpec((_BM, D), lambda i, j: (i, 0)),
        ],
        out_shape=[
            jax.ShapeDtypeStruct((K, K), f32),
            jax.ShapeDtypeStruct((K, D), f32),
        ],
        scratch_shapes=[
            pltpu.VMEM((_BM, 1), f32),
        ],
    )(Rp, CTp, Hg, vals)

    return g_new, new_h, idx

# --- scband reference (transcript-rebuilt; emitter-appended) ---
"""Pipeline reference for scband-pool-38843684225053 (READ-ONLY COPY).

The authoritative reference and input builder live on the scoring server;
editing this copy changes nothing except your own understanding.
"""

import jax, jax.numpy as jnp
import numpy as np

N = 4096
D = 256
K_RATIO = 0.5

def setup_inputs(seed: int = 0):
    key = jax.random.key(seed)
    k1, k2, k3 = jax.random.split(key, 3)
    g = jax.random.uniform(k1, (N, N), dtype=jnp.float32)
    h = jax.random.normal(k2, (N, D), dtype=jnp.float32)
    W = jax.random.normal(k3, (D, 1), dtype=jnp.float32) * (1.0 / np.sqrt(D))
    b = jnp.zeros((1,), dtype=jnp.float32)
    return {"g": g, "h": h, "W": W, "b": b}

def norm_g(g):
    degrees = jnp.sum(g, 1)
    degrees = jnp.where(degrees == 0, jnp.ones_like(degrees), degrees)
    return g / degrees[:, None]

def reference(g, h, W, b):
    # Dropout with p=0.0 is identity
    Z = h
    weights = (Z @ W + b).squeeze()
    scores = jax.nn.sigmoid(weights)
    num_nodes = g.shape[0]
    k_num = max(2, int(K_RATIO * num_nodes))
    values, idx = jax.lax.top_k(scores, k_num)
    new_h = h[idx, :] * values[:, None]
    un_g = (g != 0).astype(jnp.float32)
    un_g = ((un_g @ un_g) != 0).astype(jnp.float32)
    un_g = un_g[idx, :][:, idx]
    g_new = norm_g(un_g)
    return (g_new, new_h, idx)

if __name__ == "__main__":
    import jax
    _d = setup_inputs()
    print(jax.jit(kernel)(*tuple(_d.values())))

</pallas_src>

<mosaic_0001>
#map = affine_map<(d0, d1) -> (0, 0)>
#map1 = affine_map<(d0, d1) -> (0)>
module attributes {stable_mosaic.version = 14 : i64} {
  func.func @sc_gather(%arg0: i32, %arg1: i32, %arg2: memref<4096x2048xi32, #tpu.memory_space<hbm>>, %arg3: memref<4096x2048xi32, #tpu.memory_space<hbm>>, %arg4: memref<4096x256xf32, #tpu.memory_space<hbm>>, %arg5: memref<2048xi32, #tpu.memory_space<hbm>>, %arg6: memref<2048x2048xi32, #tpu.memory_space<hbm>>, %arg7: memref<2048x2048xi32, #tpu.memory_space<hbm>>, %arg8: memref<2048x256xf32, #tpu.memory_space<hbm>>, %arg9: memref<64xi32, #tpu.memory_space<vmem>>, %arg10: memref<16x2048xi32, #tpu.memory_space<vmem>>, %arg11: memref<16x2048xi32, #tpu.memory_space<vmem>>, %arg12: memref<64x256xf32, #tpu.memory_space<vmem>>, %arg13: memref<!tpu.dma_semaphore, #tpu.memory_space<semaphore_mem>>, %arg14: memref<!tpu.dma_semaphore, #tpu.memory_space<semaphore_mem>>, %arg15: memref<!tpu.dma_semaphore, #tpu.memory_space<semaphore_mem>>) attributes {dimension_semantics = [#tpu.dimension_semantics<core_parallel>, #tpu.dimension_semantics<subcore_parallel>], iteration_bounds = array<i64: 2, 16>, scalar_prefetch = 0 : i64, scratch_operands = 7 : i64, tpu.core_type = #tpu.core_type<sc_vector_subcore>, window_params = [{transform_indices = #map}, {transform_indices = #map}, {transform_indices = #map}, {transform_indices = #map1}, {transform_indices = #map}, {transform_indices = #map}, {transform_indices = #map}]} {
    %mul3A = arith.constant 2 : i32
    %mul3A_0 = arith.muli %arg1, %mul3A : i32
    %add3A = arith.addi %mul3A_0, %arg0 : i32
    %mul3A_1 = arith.constant 64 : i32
    %mul3A_2 = arith.muli %add3A, %mul3A_1 : i32
    "tpu.region"() ({
      %run_scoped3A = tpu.sem_alloc : memref<!tpu.dma_semaphore, #tpu.memory_space<semaphore_mem>>
      %dma_start3A_167 = tpu.memref_slice %arg5[%mul3A_2] : memref<2048xi32, #tpu.memory_space<hbm>> -> memref<64xi32, #tpu.memory_space<hbm>>
      %dma_start3A_168 = tpu.memref_slice %arg5[%mul3A_2] : memref<2048xi32, #tpu.memory_space<hbm>> -> memref<64xi32, #tpu.memory_space<hbm>>
      tpu.enqueue_dma source(%dma_start3A_168 : memref<64xi32, #tpu.memory_space<hbm>>) target(%arg9 : memref<64xi32, #tpu.memory_space<vmem>>) target_semaphore(%run_scoped3A : memref<!tpu.dma_semaphore, #tpu.memory_space<semaphore_mem>>)
      %dma_wait3A_169 = tpu.memref_slice %arg5[%mul3A_2] : memref<2048xi32, #tpu.memory_space<hbm>> -> memref<64xi32, #tpu.memory_space<hbm>>
      %dma_wait3A_170 = tpu.memref_slice %arg5[%mul3A_2] : memref<2048xi32, #tpu.memory_space<hbm>> -> memref<64xi32, #tpu.memory_space<hbm>>
      tpu.wait_dma2 semaphore(%run_scoped3A : memref<!tpu.dma_semaphore, #tpu.memory_space<semaphore_mem>>) src(%dma_wait3A_170 : memref<64xi32, #tpu.memory_space<hbm>>) dst(%arg9 : memref<64xi32, #tpu.memory_space<vmem>>)
      tpu.yield
    }) : () -> ()
    %dma_start3A = arith.constant 0 : i32
    %dma_start3A_3 = arith.constant 0 : i32
    %dma_start3A_4 = tpu.memref_slice %arg4[%dma_start3A, %dma_start3A_3] : memref<4096x256xf32, #tpu.memory_space<hbm>> -> memref<4096x256xf32, #tpu.memory_space<hbm>>
    tpu.enqueue_indirect_dma source(%dma_start3A_4 : memref<4096x256xf32, #tpu.memory_space<hbm>>) target(%arg12 : memref<64x256xf32, #tpu.memory_space<vmem>>) offsets(%arg9 : memref<64xi32, #tpu.memory_space<vmem>>) semaphore(%arg13 : memref<!tpu.dma_semaphore, #tpu.memory_space<semaphore_mem>>)
    %dma_wait3A = arith.constant 0 : i32
    %dma_wait3A_5 = arith.constant 0 : i32
    %dma_wait3A_6 = tpu.memref_slice %arg4[%dma_wait3A, %dma_wait3A_5] : memref<4096x256xf32, #tpu.memory_space<hbm>> -> memref<4096x256xf32, #tpu.memory_space<hbm>>
    tpu.wait_indirect_dma semaphore(%arg13 : memref<!tpu.dma_semaphore, #tpu.memory_space<semaphore_mem>>) src(%dma_wait3A_6 : memref<4096x256xf32, #tpu.memory_space<hbm>>) dst(%arg12 : memref<64x256xf32, #tpu.memory_space<vmem>>)
    "tpu.region"() ({
      %run_scoped3A = tpu.sem_alloc : memref<!tpu.dma_semaphore, #tpu.memory_space<semaphore_mem>>
      %dma_start3A_167 = arith.constant 0 : i32
      %dma_start3A_168 = tpu.memref_slice %arg8[%mul3A_2, %dma_start3A_167] : memref<2048x256xf32, #tpu.memory_space<hbm>> -> memref<64x256xf32, #tpu.memory_space<hbm>>
      %dma_start3A_169 = arith.constant 0 : i32
      %dma_start3A_170 = tpu.memref_slice %arg8[%mul3A_2, %dma_start3A_169] : memref<2048x256xf32, #tpu.memory_space<hbm>> -> memref<64x256xf32, #tpu.memory_space<hbm>>
      tpu.enqueue_dma source(%arg12 : memref<64x256xf32, #tpu.memory_space<vmem>>) target(%dma_start3A_170 : memref<64x256xf32, #tpu.memory_space<hbm>>) target_semaphore(%run_scoped3A : memref<!tpu.dma_semaphore, #tpu.memory_space<semaphore_mem>>)
      %dma_wait3A_171 = arith.constant 0 : i32
      %dma_wait3A_172 = tpu.memref_slice %arg8[%mul3A_2, %dma_wait3A_171] : memref<2048x256xf32, #tpu.memory_space<hbm>> -> memref<64x256xf32, #tpu.memory_space<hbm>>
      %dma_wait3A_173 = arith.constant 0 : i32
      %dma_wait3A_174 = tpu.memref_slice %arg8[%mul3A_2, %dma_wait3A_173] : memref<2048x256xf32, #tpu.memory_space<hbm>> -> memref<64x256xf32, #tpu.memory_space<hbm>>
      tpu.wait_dma2 semaphore(%run_scoped3A : memref<!tpu.dma_semaphore, #tpu.memory_space<semaphore_mem>>) src(%arg12 : memref<64x256xf32, #tpu.memory_space<vmem>>) dst(%dma_wait3A_174 : memref<64x256xf32, #tpu.memory_space<hbm>>)
      tpu.yield
    }) : () -> ()
    %dma_start3A_7 = arith.constant 0 : i32
    %dma_start3A_8 = tpu.memref_slice %arg9[%dma_start3A_7] : memref<64xi32, #tpu.memory_space<vmem>> -> memref<16xi32, #tpu.memory_space<vmem>>
    %dma_start3A_9 = arith.constant 0 : i32
    %dma_start3A_10 = arith.constant 0 : i32
    %dma_start3A_11 = tpu.memref_slice %arg2[%dma_start3A_9, %dma_start3A_10] : memref<4096x2048xi32, #tpu.memory_space<hbm>> -> memref<4096x2048xi32, #tpu.memory_space<hbm>>
    tpu.enqueue_indirect_dma source(%dma_start3A_11 : memref<4096x2048xi32, #tpu.memory_space<hbm>>) target(%arg10 : memref<16x2048xi32, #tpu.memory_space<vmem>>) offsets(%dma_start3A_8 : memref<16xi32, #tpu.memory_space<vmem>>) semaphore(%arg13 : memref<!tpu.dma_semaphore, #tpu.memory_space<semaphore_mem>>)
    %dma_wait3A_12 = arith.constant 0 : i32
    %dma_wait3A_13 = tpu.memref_slice %arg9[%dma_wait3A_12] : memref<64xi32, #tpu.memory_space<vmem>> -> memref<16xi32, #tpu.memory_space<vmem>>
    %dma_wait3A_14 = arith.constant 0 : i32
    %dma_wait3A_15 = arith.constant 0 : i32
    %dma_wait3A_16 = tpu.memref_slice %arg2[%dma_wait3A_14, %dma_wait3A_15] : memref<4096x2048xi32, #tpu.memory_space<hbm>> -> memref<4096x2048xi32, #tpu.memory_space<hbm>>
    tpu.wait_indirect_dma semaphore(%arg13 : memref<!tpu.dma_semaphore, #tpu.memory_space<semaphore_mem>>) src(%dma_wait3A_16 : memref<4096x2048xi32, #tpu.memory_space<hbm>>) dst(%arg10 : memref<16x2048xi32, #tpu.memory_space<vmem>>)
    %add3A_17 = arith.constant 0 : i32
    %add3A_18 = arith.addi %mul3A_2, %add3A_17 : i32
    %dma_start3A_19 = arith.constant 0 : i32
    %dma_start3A_20 = tpu.memref_slice %arg6[%add3A_18, %dma_start3A_19] : memref<2048x2048xi32, #tpu.memory_space<hbm>> -> memref<16x2048xi32, #tpu.memory_space<hbm>>
    %dma_start3A_21 = arith.constant 0 : i32
    %dma_start3A_22 = tpu.memref_slice %arg6[%add3A_18, %dma_start3A_21] : memref<2048x2048xi32, #tpu.memory_space<hbm>> -> memref<16x2048xi32, #tpu.memory_space<hbm>>
    tpu.enqueue_dma source(%arg10 : memref<16x2048xi32, #tpu.memory_space<vmem>>) target(%dma_start3A_22 : memref<16x2048xi32, #tpu.memory_space<hbm>>) target_semaphore(%arg14 : memref<!tpu.dma_semaphore, #tpu.memory_space<semaphore_mem>>)
    %dma_start3A_23 = arith.constant 16 : i32
    %dma_start3A_24 = tpu.memref_slice %arg9[%dma_start3A_23] : memref<64xi32, #tpu.memory_space<vmem>> -> memref<16xi32, #tpu.memory_space<vmem>>
    %dma_start3A_25 = arith.constant 0 : i32
    %dma_start3A_26 = arith.constant 0 : i32
    %dma_start3A_27 = tpu.memref_slice %arg2[%dma_start3A_25, %dma_start3A_26] : memref<4096x2048xi32, #tpu.memory_space<hbm>> -> memref<4096x2048xi32, #tpu.memory_space<hbm>>
    tpu.enqueue_indirect_dma source(%dma_start3A_27 : memref<4096x2048xi32, #tpu.memory_space<hbm>>) target(%arg11 : memref<16x2048xi32, #tpu.memory_space<vmem>>) offsets(%dma_start3A_24 : memref<16xi32, #tpu.memory_space<vmem>>) semaphore(%arg13 : memref<!tpu.dma_semaphore, #tpu.memory_space<semaphore_mem>>)
    %dma_wait3A_28 = arith.constant 16 : i32
    %dma_wait3A_29 = tpu.memref_slice %arg9[%dma_wait3A_28] : memref<64xi32, #tpu.memory_space<vmem>> -> memref<16xi32, #tpu.memory_space<vmem>>
    %dma_wait3A_30 = arith.constant 0 : i32
    %dma_wait3A_31 = arith.constant 0 : i32
    %dma_wait3A_32 = tpu.memref_slice %arg2[%dma_wait3A_30, %dma_wait3A_31] : memref<4096x2048xi32, #tpu.memory_space<hbm>> -> memref<4096x2048xi32, #tpu.memory_space<hbm>>
    tpu.wait_indirect_dma semaphore(%arg13 : memref<!tpu.dma_semaphore, #tpu.memory_space<semaphore_mem>>) src(%dma_wait3A_32 : memref<4096x2048xi32, #tpu.memory_space<hbm>>) dst(%arg11 : memref<16x2048xi32, #tpu.memory_space<vmem>>)
    %add3A_33 = arith.constant 16 : i32
    %add3A_34 = arith.addi %mul3A_2, %add3A_33 : i32
    %dma_start3A_35 = arith.constant 0 : i32
    %dma_start3A_36 = tpu.memref_slice %arg6[%add3A_34, %dma_start3A_35] : memref<2048x2048xi32, #tpu.memory_space<hbm>> -> memref<16x2048xi32, #tpu.memory_space<hbm>>
    %dma_start3A_37 = arith.constant 0 : i32
    %dma_start3A_38 = tpu.memref_slice %arg6[%add3A_34, %dma_start3A_37] : memref<2048x2048xi32, #tpu.memory_space<hbm>> -> memref<16x2048xi32, #tpu.memory_space<hbm>>
    tpu.enqueue_dma source(%arg11 : memref<16x2048xi32, #tpu.memory_space<vmem>>) target(%dma_start3A_38 : memref<16x2048xi32, #tpu.memory_space<hbm>>) target_semaphore(%arg15 : memref<!tpu.dma_semaphore, #tpu.memory_space<semaphore_mem>>)
    %dma_wait3A_39 = arith.constant 0 : i32
    %dma_wait3A_40 = tpu.memref_slice %arg6[%add3A_18, %dma_wait3A_39] : memref<2048x2048xi32, #tpu.memory_space<hbm>> -> memref<16x2048xi32, #tpu.memory_space<hbm>>
    %dma_wait3A_41 = arith.constant 0 : i32
    %dma_wait3A_42 = tpu.memref_slice %arg6[%add3A_18, %dma_wait3A_41] : memref<2048x2048xi32, #tpu.memory_space<hbm>> -> memref<16x2048xi32, #tpu.memory_space<hbm>>
    tpu.wait_dma2 semaphore(%arg14 : memref<!tpu.dma_semaphore, #tpu.memory_space<semaphore_mem>>) src(%arg10 : memref<16x2048xi32, #tpu.memory_space<vmem>>) dst(%dma_wait3A_42 : memref<16x2048xi32, #tpu.memory_space<hbm>>)
    %dma_start3A_43 = arith.constant 32 : i32
    %dma_start3A_44 = tpu.memref_slice %arg9[%dma_start3A_43] : memref<64xi32, #tpu.memory_space<vmem>> -> memref<16xi32, #tpu.memory_space<vmem>>
    %dma_start3A_45 = arith.constant 0 : i32
    %dma_start3A_46 = arith.constant 0 : i32
    %dma_start3A_47 = tpu.memref_slice %arg2[%dma_start3A_45, %dma_start3A_46] : memref<4096x2048xi32, #tpu.memory_space<hbm>> -> memref<4096x2048xi32, #tpu.memory_space<hbm>>
    tpu.enqueue_indirect_dma source(%dma_start3A_47 : memref<4096x2048xi32, #tpu.memory_space<hbm>>) target(%arg10 : memref<16x2048xi32, #tpu.memory_space<vmem>>) offsets(%dma_start3A_44 : memref<16xi32, #tpu.memory_space<vmem>>) semaphore(%arg13 : memref<!tpu.dma_semaphore, #tpu.memory_space<semaphore_mem>>)
    %dma_wait3A_48 = arith.constant 32 : i32
    %dma_wait3A_49 = tpu.memref_slice %arg9[%dma_wait3A_48] : memref<64xi32, #tpu.memory_space<vmem>> -> memref<16xi32, #tpu.memory_space<vmem>>
    %dma_wait3A_50 = arith.constant 0 : i32
    %dma_wait3A_51 = arith.constant 0 : i32
    %dma_wait3A_52 = tpu.memref_slice %arg2[%dma_wait3A_50, %dma_wait3A_51] : memref<4096x2048xi32, #tpu.memory_space<hbm>> -> memref<4096x2048xi32, #tpu.memory_space<hbm>>
    tpu.wait_indirect_dma semaphore(%arg13 : memref<!tpu.dma_semaphore, #tpu.memory_space<semaphore_mem>>) src(%dma_wait3A_52 : memref<4096x2048xi32, #tpu.memory_space<hbm>>) dst(%arg10 : memref<16x2048xi32, #tpu.memory_space<vmem>>)
    %add3A_53 = arith.constant 32 : i32
    %add3A_54 = arith.addi %mul3A_2, %add3A_53 : i32
    %dma_start3A_55 = arith.constant 0 : i32
    %dma_start3A_56 = tpu.memref_slice %arg6[%add3A_54, %dma_start3A_55] : memref<2048x2048xi32, #tpu.memory_space<hbm>> -> memref<16x2048xi32, #tpu.memory_space<hbm>>
    %dma_start3A_57 = arith.constant 0 : i32
    %dma_start3A_58 = tpu.memref_slice %arg6[%add3A_54, %dma_start3A_57] : memref<2048x2048xi32, #tpu.memory_space<hbm>> -> memref<16x2048xi32, #tpu.memory_space<hbm>>
    tpu.enqueue_dma source(%arg10 : memref<16x2048xi32, #tpu.memory_space<vmem>>) target(%dma_start3A_58 : memref<16x2048xi32, #tpu.memory_space<hbm>>) target_semaphore(%arg14 : memref<!tpu.dma_semaphore, #tpu.memory_space<semaphore_mem>>)
    %dma_wait3A_59 = arith.constant 0 : i32
    %dma_wait3A_60 = tpu.memref_slice %arg6[%add3A_34, %dma_wait3A_59] : memref<2048x2048xi32, #tpu.memory_space<hbm>> -> memref<16x2048xi32, #tpu.memory_space<hbm>>
    %dma_wait3A_61 = arith.constant 0 : i32
    %dma_wait3A_62 = tpu.memref_slice %arg6[%add3A_34, %dma_wait3A_61] : memref<2048x2048xi32, #tpu.memory_space<hbm>> -> memref<16x2048xi32, #tpu.memory_space<hbm>>
    tpu.wait_dma2 semaphore(%arg15 : memref<!tpu.dma_semaphore, #tpu.memory_space<semaphore_mem>>) src(%arg11 : memref<16x2048xi32, #tpu.memory_space<vmem>>) dst(%dma_wait3A_62 : memref<16x2048xi32, #tpu.memory_space<hbm>>)
    %dma_start3A_63 = arith.constant 48 : i32
    %dma_start3A_64 = tpu.memref_slice %arg9[%dma_start3A_63] : memref<64xi32, #tpu.memory_space<vmem>> -> memref<16xi32, #tpu.memory_space<vmem>>
    %dma_start3A_65 = arith.constant 0 : i32
    %dma_start3A_66 = arith.constant 0 : i32
    %dma_start3A_67 = tpu.memref_slice %arg2[%dma_start3A_65, %dma_start3A_66] : memref<4096x2048xi32, #tpu.memory_space<hbm>> -> memref<4096x2048xi32, #tpu.memory_space<hbm>>
    tpu.enqueue_indirect_dma source(%dma_start3A_67 : memref<4096x2048xi32, #tpu.memory_space<hbm>>) target(%arg11 : memref<16x2048xi32, #tpu.memory_space<vmem>>) offsets(%dma_start3A_64 : memref<16xi32, #tpu.memory_space<vmem>>) semaphore(%arg13 : memref<!tpu.dma_semaphore, #tpu.memory_space<semaphore_mem>>)
    %dma_wait3A_68 = arith.constant 48 : i32
    %dma_wait3A_69 = tpu.memref_slice %arg9[%dma_wait3A_68] : memref<64xi32, #tpu.memory_space<vmem>> -> memref<16xi32, #tpu.memory_space<vmem>>
    %dma_wait3A_70 = arith.constant 0 : i32
    %dma_wait3A_71 = arith.constant 0 : i32
    %dma_wait3A_72 = tpu.memref_slice %arg2[%dma_wait3A_70, %dma_wait3A_71] : memref<4096x2048xi32, #tpu.memory_space<hbm>> -> memref<4096x2048xi32, #tpu.memory_space<hbm>>
    tpu.wait_indirect_dma semaphore(%arg13 : memref<!tpu.dma_semaphore, #tpu.memory_space<semaphore_mem>>) src(%dma_wait3A_72 : memref<4096x2048xi32, #tpu.memory_space<hbm>>) dst(%arg11 : memref<16x2048xi32, #tpu.memory_space<vmem>>)
    %add3A_73 = arith.constant 48 : i32
    %add3A_74 = arith.addi %mul3A_2, %add3A_73 : i32
    %dma_start3A_75 = arith.constant 0 : i32
    %dma_start3A_76 = tpu.memref_slice %arg6[%add3A_74, %dma_start3A_75] : memref<2048x2048xi32, #tpu.memory_space<hbm>> -> memref<16x2048xi32, #tpu.memory_space<hbm>>
    %dma_start3A_77 = arith.constant 0 : i32
    %dma_start3A_78 = tpu.memref_slice %arg6[%add3A_74, %dma_start3A_77] : memref<2048x2048xi32, #tpu.memory_space<hbm>> -> memref<16x2048xi32, #tpu.memory_space<hbm>>
    tpu.enqueue_dma source(%arg11 : memref<16x2048xi32, #tpu.memory_space<vmem>>) target(%dma_start3A_78 : memref<16x2048xi32, #tpu.memory_space<hbm>>) target_semaphore(%arg15 : memref<!tpu.dma_semaphore, #tpu.memory_space<semaphore_mem>>)
    %dma_wait3A_79 = arith.constant 0 : i32
    %dma_wait3A_80 = tpu.memref_slice %arg6[%add3A_54, %dma_wait3A_79] : memref<2048x2048xi32, #tpu.memory_space<hbm>> -> memref<16x2048xi32, #tpu.memory_space<hbm>>
    %dma_wait3A_81 = arith.constant 0 : i32
    %dma_wait3A_82 = tpu.memref_slice %arg6[%add3A_54, %dma_wait3A_81] : memref<2048x2048xi32, #tpu.memory_space<hbm>> -> memref<16x2048xi32, #tpu.memory_space<hbm>>
    tpu.wait_dma2 semaphore(%arg14 : memref<!tpu.dma_semaphore, #tpu.memory_space<semaphore_mem>>) src(%arg10 : memref<16x2048xi32, #tpu.memory_space<vmem>>) dst(%dma_wait3A_82 : memref<16x2048xi32, #tpu.memory_space<hbm>>)
    %dma_start3A_83 = arith.constant 0 : i32
    %dma_start3A_84 = tpu.memref_slice %arg9[%dma_start3A_83] : memref<64xi32, #tpu.memory_space<vmem>> -> memref<16xi32, #tpu.memory_space<vmem>>
    %dma_start3A_85 = arith.constant 0 : i32
    %dma_start3A_86 = arith.constant 0 : i32
    %dma_start3A_87 = tpu.memref_slice %arg3[%dma_start3A_85, %dma_start3A_86] : memref<4096x2048xi32, #tpu.memory_space<hbm>> -> memref<4096x2048xi32, #tpu.memory_space<hbm>>
    tpu.enqueue_indirect_dma source(%dma_start3A_87 : memref<4096x2048xi32, #tpu.memory_space<hbm>>) target(%arg10 : memref<16x2048xi32, #tpu.memory_space<vmem>>) offsets(%dma_start3A_84 : memref<16xi32, #tpu.memory_space<vmem>>) semaphore(%arg13 : memref<!tpu.dma_semaphore, #tpu.memory_space<semaphore_mem>>)
    %dma_wait3A_88 = arith.constant 0 : i32
    %dma_wait3A_89 = tpu.memref_slice %arg9[%dma_wait3A_88] : memref<64xi32, #tpu.memory_space<vmem>> -> memref<16xi32, #tpu.memory_space<vmem>>
    %dma_wait3A_90 = arith.constant 0 : i32
    %dma_wait3A_91 = arith.constant 0 : i32
    %dma_wait3A_92 = tpu.memref_slice %arg3[%dma_wait3A_90, %dma_wait3A_91] : memref<4096x2048xi32, #tpu.memory_space<hbm>> -> memref<4096x2048xi32, #tpu.memory_space<hbm>>
    tpu.wait_indirect_dma semaphore(%arg13 : memref<!tpu.dma_semaphore, #tpu.memory_space<semaphore_mem>>) src(%dma_wait3A_92 : memref<4096x2048xi32, #tpu.memory_space<hbm>>) dst(%arg10 : memref<16x2048xi32, #tpu.memory_space<vmem>>)
    %add3A_93 = arith.constant 0 : i32
    %add3A_94 = arith.addi %mul3A_2, %add3A_93 : i32
    %dma_start3A_95 = arith.constant 0 : i32
    %dma_start3A_96 = tpu.memref_slice %arg7[%add3A_94, %dma_start3A_95] : memref<2048x2048xi32, #tpu.memory_space<hbm>> -> memref<16x2048xi32, #tpu.memory_space<hbm>>
    %dma_start3A_97 = arith.constant 0 : i32
    %dma_start3A_98 = tpu.memref_slice %arg7[%add3A_94, %dma_start3A_97] : memref<2048x2048xi32, #tpu.memory_space<hbm>> -> memref<16x2048xi32, #tpu.memory_space<hbm>>
    tpu.enqueue_dma source(%arg10 : memref<16x2048xi32, #tpu.memory_space<vmem>>) target(%dma_start3A_98 : memref<16x2048xi32, #tpu.memory_space<hbm>>) target_semaphore(%arg14 : memref<!tpu.dma_semaphore, #tpu.memory_space<semaphore_mem>>)
    %dma_wait3A_99 = arith.constant 0 : i32
    %dma_wait3A_100 = tpu.memref_slice %arg6[%add3A_74, %dma_wait3A_99] : memref<2048x2048xi32, #tpu.memory_space<hbm>> -> memref<16x2048xi32, #tpu.memory_space<hbm>>
    %dma_wait3A_101 = arith.constant 0 : i32
    %dma_wait3A_102 = tpu.memref_slice %arg6[%add3A_74, %dma_wait3A_101] : memref<2048x2048xi32, #tpu.memory_space<hbm>> -> memref<16x2048xi32, #tpu.memory_space<hbm>>
    tpu.wait_dma2 semaphore(%arg15 : memref<!tpu.dma_semaphore, #tpu.memory_space<semaphore_mem>>) src(%arg11 : memref<16x2048xi32, #tpu.memory_space<vmem>>) dst(%dma_wait3A_102 : memref<16x2048xi32, #tpu.memory_space<hbm>>)
    %dma_start3A_103 = arith.constant 16 : i32
    %dma_start3A_104 = tpu.memref_slice %arg9[%dma_start3A_103] : memref<64xi32, #tpu.memory_space<vmem>> -> memref<16xi32, #tpu.memory_space<vmem>>
    %dma_start3A_105 = arith.constant 0 : i32
    %dma_start3A_106 = arith.constant 0 : i32
    %dma_start3A_107 = tpu.memref_slice %arg3[%dma_start3A_105, %dma_start3A_106] : memref<4096x2048xi32, #tpu.memory_space<hbm>> -> memref<4096x2048xi32, #tpu.memory_space<hbm>>
    tpu.enqueue_indirect_dma source(%dma_start3A_107 : memref<4096x2048xi32, #tpu.memory_space<hbm>>) target(%arg11 : memref<16x2048xi32, #tpu.memory_space<vmem>>) offsets(%dma_start3A_104 : memref<16xi32, #tpu.memory_space<vmem>>) semaphore(%arg13 : memref<!tpu.dma_semaphore, #tpu.memory_space<semaphore_mem>>)
    %dma_wait3A_108 = arith.constant 16 : i32
    %dma_wait3A_109 = tpu.memref_slice %arg9[%dma_wait3A_108] : memref<64xi32, #tpu.memory_space<vmem>> -> memref<16xi32, #tpu.memory_space<vmem>>
    %dma_wait3A_110 = arith.constant 0 : i32
    %dma_wait3A_111 = arith.constant 0 : i32
    %dma_wait3A_112 = tpu.memref_slice %arg3[%dma_wait3A_110, %dma_wait3A_111] : memref<4096x2048xi32, #tpu.memory_space<hbm>> -> memref<4096x2048xi32, #tpu.memory_space<hbm>>
    tpu.wait_indirect_dma semaphore(%arg13 : memref<!tpu.dma_semaphore, #tpu.memory_space<semaphore_mem>>) src(%dma_wait3A_112 : memref<4096x2048xi32, #tpu.memory_space<hbm>>) dst(%arg11 : memref<16x2048xi32, #tpu.memory_space<vmem>>)
    %add3A_113 = arith.constant 16 : i32
    %add3A_114 = arith.addi %mul3A_2, %add3A_113 : i32
    %dma_start3A_115 = arith.constant 0 : i32
    %dma_start3A_116 = tpu.memref_slice %arg7[%add3A_114, %dma_start3A_115] : memref<2048x2048xi32, #tpu.memory_space<hbm>> -> memref<16x2048xi32, #tpu.memory_space<hbm>>
    %dma_start3A_117 = arith.constant 0 : i32
    %dma_start3A_118 = tpu.memref_slice %arg7[%add3A_114, %dma_start3A_117] : memref<2048x2048xi32, #tpu.memory_space<hbm>> -> memref<16x2048xi32, #tpu.memory_space<hbm>>
    tpu.enqueue_dma source(%arg11 : memref<16x2048xi32, #tpu.memory_space<vmem>>) target(%dma_start3A_118 : memref<16x2048xi32, #tpu.memory_space<hbm>>) target_semaphore(%arg15 : memref<!tpu.dma_semaphore, #tpu.memory_space<semaphore_mem>>)
    %dma_wait3A_119 = arith.constant 0 : i32
    %dma_wait3A_120 = tpu.memref_slice %arg7[%add3A_94, %dma_wait3A_119] : memref<2048x2048xi32, #tpu.memory_space<hbm>> -> memref<16x2048xi32, #tpu.memory_space<hbm>>
    %dma_wait3A_121 = arith.constant 0 : i32
    %dma_wait3A_122 = tpu.memref_slice %arg7[%add3A_94, %dma_wait3A_121] : memref<2048x2048xi32, #tpu.memory_space<hbm>> -> memref<16x2048xi32, #tpu.memory_space<hbm>>
    tpu.wait_dma2 semaphore(%arg14 : memref<!tpu.dma_semaphore, #tpu.memory_space<semaphore_mem>>) src(%arg10 : memref<16x2048xi32, #tpu.memory_space<vmem>>) dst(%dma_wait3A_122 : memref<16x2048xi32, #tpu.memory_space<hbm>>)
    %dma_start3A_123 = arith.constant 32 : i32
    %dma_start3A_124 = tpu.memref_slice %arg9[%dma_start3A_123] : memref<64xi32, #tpu.memory_space<vmem>> -> memref<16xi32, #tpu.memory_space<vmem>>
    %dma_start3A_125 = arith.constant 0 : i32
    %dma_start3A_126 = arith.constant 0 : i32
    %dma_start3A_127 = tpu.memref_slice %arg3[%dma_start3A_125, %dma_start3A_126] : memref<4096x2048xi32, #tpu.memory_space<hbm>> -> memref<4096x2048xi32, #tpu.memory_space<hbm>>
    tpu.enqueue_indirect_dma source(%dma_start3A_127 : memref<4096x2048xi32, #tpu.memory_space<hbm>>) target(%arg10 : memref<16x2048xi32, #tpu.memory_space<vmem>>) offsets(%dma_start3A_124 : memref<16xi32, #tpu.memory_space<vmem>>) semaphore(%arg13 : memref<!tpu.dma_semaphore, #tpu.memory_space<semaphore_mem>>)
    %dma_wait3A_128 = arith.constant 32 : i32
    %dma_wait3A_129 = tpu.memref_slice %arg9[%dma_wait3A_128] : memref<64xi32, #tpu.memory_space<vmem>> -> memref<16xi32, #tpu.memory_space<vmem>>
    %dma_wait3A_130 = arith.constant 0 : i32
    %dma_wait3A_131 = arith.constant 0 : i32
    %dma_wait3A_132 = tpu.memref_slice %arg3[%dma_wait3A_130, %dma_wait3A_131] : memref<4096x2048xi32, #tpu.memory_space<hbm>> -> memref<4096x2048xi32, #tpu.memory_space<hbm>>
    tpu.wait_indirect_dma semaphore(%arg13 : memref<!tpu.dma_semaphore, #tpu.memory_space<semaphore_mem>>) src(%dma_wait3A_132 : memref<4096x2048xi32, #tpu.memory_space<hbm>>) dst(%arg10 : memref<16x2048xi32, #tpu.memory_space<vmem>>)
    %add3A_133 = arith.constant 32 : i32
    %add3A_134 = arith.addi %mul3A_2, %add3A_133 : i32
    %dma_start3A_135 = arith.constant 0 : i32
    %dma_start3A_136 = tpu.memref_slice %arg7[%add3A_134, %dma_start3A_135] : memref<2048x2048xi32, #tpu.memory_space<hbm>> -> memref<16x2048xi32, #tpu.memory_space<hbm>>
    %dma_start3A_137 = arith.constant 0 : i32
    %dma_start3A_138 = tpu.memref_slice %arg7[%add3A_134, %dma_start3A_137] : memref<2048x2048xi32, #tpu.memory_space<hbm>> -> memref<16x2048xi32, #tpu.memory_space<hbm>>
    tpu.enqueue_dma source(%arg10 : memref<16x2048xi32, #tpu.memory_space<vmem>>) target(%dma_start3A_138 : memref<16x2048xi32, #tpu.memory_space<hbm>>) target_semaphore(%arg14 : memref<!tpu.dma_semaphore, #tpu.memory_space<semaphore_mem>>)
    %dma_wait3A_139 = arith.constant 0 : i32
    %dma_wait3A_140 = tpu.memref_slice %arg7[%add3A_114, %dma_wait3A_139] : memref<2048x2048xi32, #tpu.memory_space<hbm>> -> memref<16x2048xi32, #tpu.memory_space<hbm>>
    %dma_wait3A_141 = arith.constant 0 : i32
    %dma_wait3A_142 = tpu.memref_slice %arg7[%add3A_114, %dma_wait3A_141] : memref<2048x2048xi32, #tpu.memory_space<hbm>> -> memref<16x2048xi32, #tpu.memory_space<hbm>>
    tpu.wait_dma2 semaphore(%arg15 : memref<!tpu.dma_semaphore, #tpu.memory_space<semaphore_mem>>) src(%arg11 : memref<16x2048xi32, #tpu.memory_space<vmem>>) dst(%dma_wait3A_142 : memref<16x2048xi32, #tpu.memory_space<hbm>>)
    %dma_start3A_143 = arith.constant 48 : i32
    %dma_start3A_144 = tpu.memref_slice %arg9[%dma_start3A_143] : memref<64xi32, #tpu.memory_space<vmem>> -> memref<16xi32, #tpu.memory_space<vmem>>
    %dma_start3A_145 = arith.constant 0 : i32
    %dma_start3A_146 = arith.constant 0 : i32
    %dma_start3A_147 = tpu.memref_slice %arg3[%dma_start3A_145, %dma_start3A_146] : memref<4096x2048xi32, #tpu.memory_space<hbm>> -> memref<4096x2048xi32, #tpu.memory_space<hbm>>
    tpu.enqueue_indirect_dma source(%dma_start3A_147 : memref<4096x2048xi32, #tpu.memory_space<hbm>>) target(%arg11 : memref<16x2048xi32, #tpu.memory_space<vmem>>) offsets(%dma_start3A_144 : memref<16xi32, #tpu.memory_space<vmem>>) semaphore(%arg13 : memref<!tpu.dma_semaphore, #tpu.memory_space<semaphore_mem>>)
    %dma_wait3A_148 = arith.constant 48 : i32
    %dma_wait3A_149 = tpu.memref_slice %arg9[%dma_wait3A_148] : memref<64xi32, #tpu.memory_space<vmem>> -> memref<16xi32, #tpu.memory_space<vmem>>
    %dma_wait3A_150 = arith.constant 0 : i32
    %dma_wait3A_151 = arith.constant 0 : i32
    %dma_wait3A_152 = tpu.memref_slice %arg3[%dma_wait3A_150, %dma_wait3A_151] : memref<4096x2048xi32, #tpu.memory_space<hbm>> -> memref<4096x2048xi32, #tpu.memory_space<hbm>>
    tpu.wait_indirect_dma semaphore(%arg13 : memref<!tpu.dma_semaphore, #tpu.memory_space<semaphore_mem>>) src(%dma_wait3A_152 : memref<4096x2048xi32, #tpu.memory_space<hbm>>) dst(%arg11 : memref<16x2048xi32, #tpu.memory_space<vmem>>)
    %add3A_153 = arith.constant 48 : i32
    %add3A_154 = arith.addi %mul3A_2, %add3A_153 : i32
    %dma_start3A_155 = arith.constant 0 : i32
    %dma_start3A_156 = tpu.memref_slice %arg7[%add3A_154, %dma_start3A_155] : memref<2048x2048xi32, #tpu.memory_space<hbm>> -> memref<16x2048xi32, #tpu.memory_space<hbm>>
    %dma_start3A_157 = arith.constant 0 : i32
    %dma_start3A_158 = tpu.memref_slice %arg7[%add3A_154, %dma_start3A_157] : memref<2048x2048xi32, #tpu.memory_space<hbm>> -> memref<16x2048xi32, #tpu.memory_space<hbm>>
    tpu.enqueue_dma source(%arg11 : memref<16x2048xi32, #tpu.memory_space<vmem>>) target(%dma_start3A_158 : memref<16x2048xi32, #tpu.memory_space<hbm>>) target_semaphore(%arg15 : memref<!tpu.dma_semaphore, #tpu.memory_space<semaphore_mem>>)
    %dma_wait3A_159 = arith.constant 0 : i32
    %dma_wait3A_160 = tpu.memref_slice %arg7[%add3A_134, %dma_wait3A_159] : memref<2048x2048xi32, #tpu.memory_space<hbm>> -> memref<16x2048xi32, #tpu.memory_space<hbm>>
    %dma_wait3A_161 = arith.constant 0 : i32
    %dma_wait3A_162 = tpu.memref_slice %arg7[%add3A_134, %dma_wait3A_161] : memref<2048x2048xi32, #tpu.memory_space<hbm>> -> memref<16x2048xi32, #tpu.memory_space<hbm>>
    tpu.wait_dma2 semaphore(%arg14 : memref<!tpu.dma_semaphore, #tpu.memory_space<semaphore_mem>>) src(%arg10 : memref<16x2048xi32, #tpu.memory_space<vmem>>) dst(%dma_wait3A_162 : memref<16x2048xi32, #tpu.memory_space<hbm>>)
    %dma_wait3A_163 = arith.constant 0 : i32
    %dma_wait3A_164 = tpu.memref_slice %arg7[%add3A_154, %dma_wait3A_163] : memref<2048x2048xi32, #tpu.memory_space<hbm>> -> memref<16x2048xi32, #tpu.memory_space<hbm>>
    %dma_wait3A_165 = arith.constant 0 : i32
    %dma_wait3A_166 = tpu.memref_slice %arg7[%add3A_154, %dma_wait3A_165] : memref<2048x2048xi32, #tpu.memory_space<hbm>> -> memref<16x2048xi32, #tpu.memory_space<hbm>>
    tpu.wait_dma2 semaphore(%arg15 : memref<!tpu.dma_semaphore, #tpu.memory_space<semaphore_mem>>) src(%arg11 : memref<16x2048xi32, #tpu.memory_space<vmem>>) dst(%dma_wait3A_166 : memref<16x2048xi32, #tpu.memory_space<hbm>>)
    return
  }
}

module attributes {stable_mosaic.version = 14 : i64} {
  func.func @_inv_body(%arg0: i32, %arg1: memref<1x4096xi32, #tpu.memory_space<vmem>>, %arg2: memref<1x4096xf32, #tpu.memory_space<vmem>>, %arg3: memref<512x1xi32, #tpu.memory_space<vmem>>, %arg4: memref<512x1xf32, #tpu.memory_space<vmem>>) attributes {dimension_semantics = [#tpu.dimension_semantics<arbitrary>], iteration_bounds = array<i64: 4>, scalar_prefetch = 0 : i64, scratch_operands = 0 : i64, tpu.core_type = #tpu.core_type<tc>, window_params = [{pipeline_mode = #tpu.pipeline_mode<synchronous>, transform_indices = @transform_0, window_bounds = array<i64: 1, 4096>}, {pipeline_mode = #tpu.pipeline_mode<synchronous>, transform_indices = @transform_1, window_bounds = array<i64: 1, 4096>}, {transform_indices = @transform_2, window_bounds = array<i64: 512, 1>}, {transform_indices = @transform_3, window_bounds = array<i64: 512, 1>}]} {
    %get3A = arith.constant 0 : index
    %get3A_0 = arith.constant 0 : index
    %get3A_1 = vector.load %arg1[%get3A, %get3A_0] : memref<1x4096xi32, #tpu.memory_space<vmem>>, vector<1x4096xi32>
    %get3A_2 = arith.constant 0 : index
    %get3A_3 = arith.constant 0 : index
    %get3A_4 = vector.load %arg2[%get3A_2, %get3A_3] : memref<1x4096xf32, #tpu.memory_space<vmem>>, vector<1x4096xf32>
    %mul3A = arith.constant 512 : i32
    %mul3A_5 = arith.muli %arg0, %mul3A : i32
    %iota3A = tpu.iota {dimensions = array<i32: 0>} : vector<512x4096xi32>
    %add3A = vector.broadcast %mul3A_5 : i32 to vector<512x4096xi32>
    %add3A_6 = arith.addi %add3A, %iota3A : vector<512x4096xi32>
    %iota3A_7 = tpu.iota {dimensions = array<i32: 1>} : vector<512x4096xi32>
    %eq3A = vector.broadcast %get3A_1 : vector<1x4096xi32> to vector<512x4096xi32>
    %eq3A_8 = arith.cmpi eq, %eq3A, %add3A_6 : vector<512x4096xi32>
    %jit3A = arith.constant 0 : i32
    %broadcast_in_dim3A = vector.broadcast %jit3A : i32 to vector<512x4096xi32>
    %select_n3A = arith.select %eq3A_8, %iota3A_7, %broadcast_in_dim3A : vector<512x4096xi1>, vector<512x4096xi32>
    %reduce_sum3A = arith.constant dense<0> : vector<512xi32>
    %reduce_sum3A_9 = vector.multi_reduction <add>, %select_n3A, %reduce_sum3A [1] : vector<512x4096xi32> to vector<512xi32>
    %broadcast_in_dim3A_10 = vector.shape_cast %reduce_sum3A_9 : vector<512xi32> to vector<512x1xi32>
    %swap3A = arith.constant 0 : index
    %swap3A_11 = arith.constant 0 : index
    %swap3A_12 = vector.load %arg3[%swap3A, %swap3A_11] : memref<512x1xi32, #tpu.memory_space<vmem>>, vector<512x1xi32>
    tpu.vector_store %arg3[%swap3A, %swap3A_11], %broadcast_in_dim3A_10 {strides = array<i32>} : memref<512x1xi32, #tpu.memory_space<vmem>>, vector<512x1xi32>,
    %jit3A_13 = arith.constant 0.000000e+00 : f32
    %broadcast_in_dim3A_14 = vector.shape_cast %get3A_4 : vector<1x4096xf32> to vector<1x4096xf32>
    %broadcast_in_dim3A_15 = vector.broadcast %broadcast_in_dim3A_14 : vector<1x4096xf32> to vector<512x4096xf32>
    %broadcast_in_dim3A_16 = vector.broadcast %jit3A_13 : f32 to vector<512x4096xf32>
    %select_n3A_17 = arith.select %eq3A_8, %broadcast_in_dim3A_15, %broadcast_in_dim3A_16 : vector<512x4096xi1>, vector<512x4096xf32>
    %reduce_sum3A_18 = arith.constant dense<0.000000e+00> : vector<512xf32>
    %reduce_sum3A_19 = vector.multi_reduction <add>, %select_n3A_17, %reduce_sum3A_18 [1] : vector<512x4096xf32> to vector<512xf32>
    %broadcast_in_dim3A_20 = vector.shape_cast %reduce_sum3A_19 : vector<512xf32> to vector<512x1xf32>
    %swap3A_21 = arith.constant 0 : index
    %swap3A_22 = arith.constant 0 : index
    %swap3A_23 = vector.load %arg4[%swap3A_21, %swap3A_22] : memref<512x1xf32, #tpu.memory_space<vmem>>, vector<512x1xf32>
    tpu.vector_store %arg4[%swap3A_21, %swap3A_22], %broadcast_in_dim3A_20 {strides = array<i32>} : memref<512x1xf32, #tpu.memory_space<vmem>>, vector<512x1xf32>,
    return
  }
  func.func @transform_0(%arg0: i32) -> (i32, i32) {
    %c0_i32 = arith.constant 0 : i32
    %c0_i32_0 = arith.constant 0 : i32
    %c0_i32_1 = arith.constant 0 : i32
    return %c0_i32, %c0_i32_0 : i32, i32
  }
  func.func @transform_1(%arg0: i32) -> (i32, i32) {
    %c0_i32 = arith.constant 0 : i32
    %c0_i32_0 = arith.constant 0 : i32
    %c0_i32_1 = arith.constant 0 : i32
    return %c0_i32, %c0_i32_0 : i32, i32
  }
  func.func @transform_2(%arg0: i32) -> (i32, i32) {
    %c0_i32 = arith.constant 0 : i32
    %c0_i32_0 = arith.constant 0 : i32
    return %arg0, %c0_i32 : i32, i32
  }
  func.func @transform_3(%arg0: i32) -> (i32, i32) {
    %c0_i32 = arith.constant 0 : i32
    %c0_i32_0 = arith.constant 0 : i32
    return %arg0, %c0_i32 : i32, i32
  }
}

module attributes {stable_mosaic.version = 14 : i64} {
  func.func @_rank_body(%arg0: i32, %arg1: memref<4096x256xf32, #tpu.memory_space<vmem>>, %arg2: memref<256x1xf32, #tpu.memory_space<vmem>>, %arg3: memref<1x1xf32, #tpu.memory_space<vmem>>, %arg4: memref<512x1xi32, #tpu.memory_space<vmem>>, %arg5: memref<1x4096xf32, #tpu.memory_space<vmem>>, %arg6: memref<4096x1xf32, #tpu.memory_space<vmem>>, %arg7: memref<1x4096xf32, #tpu.memory_space<vmem>>) attributes {dimension_semantics = [#tpu.dimension_semantics<arbitrary>], iteration_bounds = array<i64: 8>, scalar_prefetch = 0 : i64, scratch_operands = 2 : i64, tpu.core_type = #tpu.core_type<tc>, window_params = [{pipeline_mode = #tpu.pipeline_mode<synchronous>, transform_indices = @transform_0, window_bounds = array<i64: 4096, 256>}, {pipeline_mode = #tpu.pipeline_mode<synchronous>, transform_indices = @transform_1, window_bounds = array<i64: 256, 1>}, {pipeline_mode = #tpu.pipeline_mode<synchronous>, transform_indices = @transform_2, window_bounds = array<i64: 1, 1>}, {transform_indices = @transform_3, window_bounds = array<i64: 512, 1>}, {pipeline_mode = #tpu.pipeline_mode<synchronous>, transform_indices = @transform_4, window_bounds = array<i64: 1, 4096>}]} {
    %eq3A = arith.constant 0 : i32
    %eq3A_0 = arith.cmpi eq, %arg0, %eq3A : i32
    %convert_element_type3A = arith.extui %eq3A_0 : i1 to i32
    %cond3A = arith.constant 0 : i32
    %cond3A_1 = arith.cmpi ne, %convert_element_type3A, %cond3A : i32
    scf.if %cond3A_1 {
      %get3A_21 = arith.constant 0 : index
      %get3A_22 = arith.constant 0 : index
      %get3A_23 = vector.load %arg3[%get3A_21, %get3A_22] : memref<1x1xf32, #tpu.memory_space<vmem>>, vector<1x1xf32>
      %get3A_24 = vector.extract %get3A_23[0, 0] : f32 from vector<1x1xf32>
      %get3A_25 = arith.constant 0 : index
      %get3A_26 = arith.constant 0 : index
      %get3A_27 = vector.load %arg1[%get3A_25, %get3A_26] : memref<4096x256xf32, #tpu.memory_space<vmem>>, vector<4096x256xf32>
      %get3A_28 = arith.constant 0 : index
      %get3A_29 = arith.constant 0 : index
      %get3A_30 = vector.load %arg2[%get3A_28, %get3A_29] : memref<256x1xf32, #tpu.memory_space<vmem>>, vector<256x1xf32>
      %dot_general3A = arith.constant dense<0.000000e+00> : vector<4096x1xf32>
      %dot_general3A_31 = tpu.matmul %get3A_27, %get3A_30, %dot_general3A {dimension_numbers = #tpu.dot_dimension_numbers<[1], [0], [0], [1], [0, 0, 1, 1], [], []>, transpose_lhs_hint = false} : vector<4096x256xf32>, vector<256x1xf32>, vector<4096x1xf32> -> vector<4096x1xf32>
      %add3A_32 = vector.broadcast %get3A_24 : f32 to vector<4096x1xf32>
      %add3A_33 = arith.addf %dot_general3A_31, %add3A_32 : vector<4096x1xf32>
      %logistic3A = arith.negf %add3A_33 : vector<4096x1xf32>
      %logistic3A_34 = math.exp %logistic3A : vector<4096x1xf32>
      %logistic3A_35 = arith.constant 1.000000e+00 : f32
      %logistic3A_36 = vector.broadcast %logistic3A_35 : f32 to vector<4096x1xf32>
      %logistic3A_37 = arith.addf %logistic3A_36, %logistic3A_34 : vector<4096x1xf32>
      %logistic3A_38 = arith.divf %logistic3A_36, %logistic3A_37 : vector<4096x1xf32>
      %swap3A_39 = arith.constant 0 : index
      %swap3A_40 = arith.constant 0 : index
      %swap3A_41 = vector.load %arg6[%swap3A_39, %swap3A_40] : memref<4096x1xf32, #tpu.memory_space<vmem>>, vector<4096x1xf32>
      tpu.vector_store %arg6[%swap3A_39, %swap3A_40], %logistic3A_38 {strides = array<i32>} : memref<4096x1xf32, #tpu.memory_space<vmem>>, vector<4096x1xf32>,
      %get3A_42 = arith.constant 0 : index
      %get3A_43 = arith.constant 0 : index
      %get3A_44 = vector.load %arg2[%get3A_42, %get3A_43] : memref<256x1xf32, #tpu.memory_space<vmem>>, vector<256x1xf32>
      %get3A_45 = arith.constant 0 : index
      %get3A_46 = arith.constant 0 : index
      %get3A_47 = vector.load %arg1[%get3A_45, %get3A_46] : memref<4096x256xf32, #tpu.memory_space<vmem>>, vector<4096x256xf32>
      %dot_general3A_48 = arith.constant dense<0.000000e+00> : vector<1x4096xf32>
      %dot_general3A_49 = tpu.matmul %get3A_44, %get3A_47, %dot_general3A_48 {dimension_numbers = #tpu.dot_dimension_numbers<[0], [1], [1], [0], [0, 1, 1, 0], [], []>, transpose_lhs_hint = false} : vector<256x1xf32>, vector<4096x256xf32>, vector<1x4096xf32> -> vector<1x4096xf32>
      %add3A_50 = vector.broadcast %get3A_24 : f32 to vector<1x4096xf32>
      %add3A_51 = arith.addf %dot_general3A_49, %add3A_50 : vector<1x4096xf32>
      %logistic3A_52 = arith.negf %add3A_51 : vector<1x4096xf32>
      %logistic3A_53 = math.exp %logistic3A_52 : vector<1x4096xf32>
      %logistic3A_54 = arith.constant 1.000000e+00 : f32
      %logistic3A_55 = vector.broadcast %logistic3A_54 : f32 to vector<1x4096xf32>
      %logistic3A_56 = arith.addf %logistic3A_55, %logistic3A_53 : vector<1x4096xf32>
      %logistic3A_57 = arith.divf %logistic3A_55, %logistic3A_56 : vector<1x4096xf32>
      %swap3A_58 = arith.constant 0 : index
      %swap3A_59 = arith.constant 0 : index
      %swap3A_60 = vector.load %arg7[%swap3A_58, %swap3A_59] : memref<1x4096xf32, #tpu.memory_space<vmem>>, vector<1x4096xf32>
      tpu.vector_store %arg7[%swap3A_58, %swap3A_59], %logistic3A_57 {strides = array<i32>} : memref<1x4096xf32, #tpu.memory_space<vmem>>, vector<1x4096xf32>,
      %get3A_61 = arith.constant 0 : index
      %get3A_62 = arith.constant 0 : index
      %get3A_63 = vector.load %arg7[%get3A_61, %get3A_62] : memref<1x4096xf32, #tpu.memory_space<vmem>>, vector<1x4096xf32>
      %swap3A_64 = arith.constant 0 : index
      %swap3A_65 = arith.constant 0 : index
      %swap3A_66 = vector.load %arg5[%swap3A_64, %swap3A_65] : memref<1x4096xf32, #tpu.memory_space<vmem>>, vector<1x4096xf32>
      tpu.vector_store %arg5[%swap3A_64, %swap3A_65], %get3A_63 {strides = array<i32>} : memref<1x4096xf32, #tpu.memory_space<vmem>>, vector<1x4096xf32>,
    } else {
    }
    %mul3A = arith.constant 512 : i32
    %mul3A_2 = arith.muli %arg0, %mul3A : i32
    %get3A = arith.index_cast %mul3A_2 : i32 to index
    %get3A_3 = arith.constant 0 : index
    %get3A_4 = vector.load %arg6[%get3A, %get3A_3] : memref<4096x1xf32, #tpu.memory_space<vmem>>, vector<512x1xf32>
    %get3A_5 = arith.constant 0 : index
    %get3A_6 = arith.constant 0 : index
    %get3A_7 = vector.load %arg7[%get3A_5, %get3A_6] : memref<1x4096xf32, #tpu.memory_space<vmem>>, vector<1x4096xf32>
    %iota3A = tpu.iota {dimensions = array<i32: 1>} : vector<512x4096xi32>
    %mul3A_8 = arith.constant 512 : i32
    %mul3A_9 = arith.muli %arg0, %mul3A_8 : i32
    %iota3A_10 = tpu.iota {dimensions = array<i32: 0>} : vector<512x4096xi32>
    %add3A = vector.broadcast %mul3A_9 : i32 to vector<512x4096xi32>
    %add3A_11 = arith.addi %add3A, %iota3A_10 : vector<512x4096xi32>
    %gt3A = vector.broadcast %get3A_7 : vector<1x4096xf32> to vector<512x4096xf32>
    %gt3A_12 = vector.broadcast %get3A_4 : vector<512x1xf32> to vector<512x4096xf32>
    %gt3A_13 = arith.cmpf ogt, %gt3A, %gt3A_12 : vector<512x4096xf32>
    %eq3A_14 = vector.broadcast %get3A_7 : vector<1x4096xf32> to vector<512x4096xf32>
    %eq3A_15 = vector.broadcast %get3A_4 : vector<512x1xf32> to vector<512x4096xf32>
    %eq3A_16 = arith.cmpf oeq, %eq3A_14, %eq3A_15 : vector<512x4096xf32>
    %lt3A = arith.cmpi slt, %iota3A, %add3A_11 : vector<512x4096xi32>
    %and3A = arith.andi %eq3A_16, %lt3A : vector<512x4096xi1>
    %or3A = arith.ori %gt3A_13, %and3A : vector<512x4096xi1>
    %convert_element_type3A_17 = arith.extui %or3A : vector<512x4096xi1> to vector<512x4096xi32>
    %reduce_sum3A = arith.constant dense<0> : vector<512xi32>
    %reduce_sum3A_18 = vector.multi_reduction <add>, %convert_element_type3A_17, %reduce_sum3A [1] : vector<512x4096xi32> to vector<512xi32>
    %broadcast_in_dim3A = vector.shape_cast %reduce_sum3A_18 : vector<512xi32> to vector<512x1xi32>
    %swap3A = arith.constant 0 : index
    %swap3A_19 = arith.constant 0 : index
    %swap3A_20 = vector.load %arg4[%swap3A, %swap3A_19] : memref<512x1xi32, #tpu.memory_space<vmem>>, vector<512x1xi32>
    tpu.vector_store %arg4[%swap3A, %swap3A_19], %broadcast_in_dim3A {strides = array<i32>} : memref<512x1xi32, #tpu.memory_space<vmem>>, vector<512x1xi32>,
    return
  }
  func.func @transform_0(%arg0: i32) -> (i32, i32) {
    %c0_i32 = arith.constant 0 : i32
    %c0_i32_0 = arith.constant 0 : i32
    %c0_i32_1 = arith.constant 0 : i32
    return %c0_i32, %c0_i32_0 : i32, i32
  }
  func.func @transform_1(%arg0: i32) -> (i32, i32) {
    %c0_i32 = arith.constant 0 : i32
    %c0_i32_0 = arith.constant 0 : i32
    %c0_i32_1 = arith.constant 0 : i32
    return %c0_i32, %c0_i32_0 : i32, i32
  }
  func.func @transform_2(%arg0: i32) -> (i32, i32) {
    %c0_i32 = arith.constant 0 : i32
    %c0_i32_0 = arith.constant 0 : i32
    %c0_i32_1 = arith.constant 0 : i32
    return %c0_i32, %c0_i32_0 : i32, i32
  }
  func.func @transform_3(%arg0: i32) -> (i32, i32) {
    %c0_i32 = arith.constant 0 : i32
    %c0_i32_0 = arith.constant 0 : i32
    return %arg0, %c0_i32 : i32, i32
  }
  func.func @transform_4(%arg0: i32) -> (i32, i32) {
    %c0_i32 = arith.constant 0 : i32
    %c0_i32_0 = arith.constant 0 : i32
    %c0_i32_1 = arith.constant 0 : i32
    return %c0_i32, %c0_i32_0 : i32, i32
  }
}

module attributes {stable_mosaic.version = 14 : i64} {
  func.func @_prep_body(%arg0: i32, %arg1: memref<256x4096xf32, #tpu.memory_space<vmem>>, %arg2: memref<256x2048xi32, #tpu.memory_space<vmem>>, %arg3: memref<4096x256xi32, #tpu.memory_space<vmem>>) attributes {dimension_semantics = [#tpu.dimension_semantics<arbitrary>], iteration_bounds = array<i64: 16>, scalar_prefetch = 0 : i64, scratch_operands = 0 : i64, tpu.core_type = #tpu.core_type<tc>, window_params = [{transform_indices = @transform_0, window_bounds = array<i64: 256, 4096>}, {transform_indices = @transform_1, window_bounds = array<i64: 256, 2048>}, {transform_indices = @transform_2, window_bounds = array<i64: 4096, 256>}]} {
    %get3A = arith.constant 0 : index
    %get3A_0 = arith.constant 0 : index
    %get3A_1 = vector.load %arg1[%get3A, %get3A_0] : memref<256x4096xf32, #tpu.memory_space<vmem>>, vector<256x4096xf32>
    %slice3A = vector.extract_strided_slice %get3A_1 {offsets = [0, 0], sizes = [256, 2048], strides = [1, 1]} : vector<256x4096xf32> to vector<256x2048xf32>
    %ne3A = arith.constant 0.000000e+00 : f32
    %ne3A_2 = vector.broadcast %ne3A : f32 to vector<256x2048xf32>
    %ne3A_3 = arith.cmpf one, %slice3A, %ne3A_2 : vector<256x2048xf32>
    %convert_element_type3A = arith.extui %ne3A_3 : vector<256x2048xi1> to vector<256x2048xi32>
    %slice3A_4 = vector.extract_strided_slice %get3A_1 {offsets = [0, 2048], sizes = [256, 2048], strides = [1, 1]} : vector<256x4096xf32> to vector<256x2048xf32>
    %ne3A_5 = arith.constant 0.000000e+00 : f32
    %ne3A_6 = vector.broadcast %ne3A_5 : f32 to vector<256x2048xf32>
    %ne3A_7 = arith.cmpf one, %slice3A_4, %ne3A_6 : vector<256x2048xf32>
    %convert_element_type3A_8 = arith.extui %ne3A_7 : vector<256x2048xi1> to vector<256x2048xi32>
    %mul3A = arith.constant 2 : i32
    %mul3A_9 = vector.broadcast %mul3A : i32 to vector<256x2048xi32>
    %mul3A_10 = arith.muli %mul3A_9, %convert_element_type3A_8 : vector<256x2048xi32>
    %add3A = arith.addi %convert_element_type3A, %mul3A_10 : vector<256x2048xi32>
    %swap3A = arith.constant 0 : index
    %swap3A_11 = arith.constant 0 : index
    %swap3A_12 = vector.load %arg2[%swap3A, %swap3A_11] : memref<256x2048xi32, #tpu.memory_space<vmem>>, vector<256x2048xi32>
    tpu.vector_store %arg2[%swap3A, %swap3A_11], %add3A {strides = array<i32>} : memref<256x2048xi32, #tpu.memory_space<vmem>>, vector<256x2048xi32>,
    %ne3A_13 = arith.constant 0.000000e+00 : f32
    %ne3A_14 = vector.broadcast %ne3A_13 : f32 to vector<256x4096xf32>
    %ne3A_15 = arith.cmpf one, %get3A_1, %ne3A_14 : vector<256x4096xf32>
    %convert_element_type3A_16 = arith.extui %ne3A_15 : vector<256x4096xi1> to vector<256x4096xi32>
    %convert_element_type3A_17 = arith.sitofp %convert_element_type3A_16 : vector<256x4096xi32> to vector<256x4096xf32>
    %convert_element_type3A_18 = arith.truncf %convert_element_type3A_17 : vector<256x4096xf32> to vector<256x4096xbf16>
    %iota3A = tpu.iota {dimensions = array<i32: 0>} : vector<256x256xi32>
    %iota3A_19 = tpu.iota {dimensions = array<i32: 1>} : vector<256x256xi32>
    %eq3A = arith.cmpi eq, %iota3A, %iota3A_19 : vector<256x256xi32>
    %convert_element_type3A_20 = arith.extui %eq3A : vector<256x256xi1> to vector<256x256xi32>
    %convert_element_type3A_21 = arith.sitofp %convert_element_type3A_20 : vector<256x256xi32> to vector<256x256xf32>
    %convert_element_type3A_22 = arith.truncf %convert_element_type3A_21 : vector<256x256xf32> to vector<256x256xbf16>
    %dot_general3A = arith.constant dense<0.000000e+00> : vector<4096x256xf32>
    %dot_general3A_23 = tpu.matmul %convert_element_type3A_18, %convert_element_type3A_22, %dot_general3A {dimension_numbers = #tpu.dot_dimension_numbers<[0], [0], [1], [1], [0, 1, 1, 1], [], []>, transpose_lhs_hint = false} : vector<256x4096xbf16>, vector<256x256xbf16>, vector<4096x256xf32> -> vector<4096x256xf32>
    %convert_element_type3A_24 = arith.fptosi %dot_general3A_23 : vector<4096x256xf32> to vector<4096x256xi32>
    %jit3A = arith.constant 2 : i32
    %eq3A_25 = arith.constant 0 : i32
    %eq3A_26 = arith.cmpi eq, %jit3A, %eq3A_25 : i32
    %jit3A_27 = arith.constant 1 : i32
    %select_n3A = arith.select %eq3A_26, %jit3A_27, %jit3A : i32
    %rem3A = arith.remsi %arg0, %select_n3A : i32
    %ne3A_28 = arith.constant 0 : i32
    %ne3A_29 = arith.cmpi ne, %rem3A, %ne3A_28 : i32
    %lt3A = arith.constant 0 : i32
    %lt3A_30 = arith.cmpi slt, %rem3A, %lt3A : i32
    %lt3A_31 = arith.constant 0 : i32
    %lt3A_32 = arith.cmpi slt, %select_n3A, %lt3A_31 : i32
    %ne3A_33 = arith.xori %lt3A_30, %lt3A_32 : i1
    %and3A = arith.andi %ne3A_33, %ne3A_29 : i1
    %add3A_34 = arith.addi %rem3A, %select_n3A : i32
    %select_n3A_35 = arith.select %and3A, %add3A_34, %rem3A : i32
    %eq3A_36 = arith.constant 0 : i32
    %eq3A_37 = arith.cmpi eq, %select_n3A_35, %eq3A_36 : i32
    %convert_element_type3A_38 = arith.extui %eq3A_37 : i1 to i32
    %cond3A = arith.constant 0 : i32
    %cond3A_39 = arith.cmpi ne, %convert_element_type3A_38, %cond3A : i32
    scf.if %cond3A_39 {
      %swap3A_61 = arith.constant 0 : index
      %swap3A_62 = arith.constant 0 : index
      %swap3A_63 = vector.load %arg3[%swap3A_61, %swap3A_62] : memref<4096x256xi32, #tpu.memory_space<vmem>>, vector<4096x256xi32>
      tpu.vector_store %arg3[%swap3A_61, %swap3A_62], %convert_element_type3A_24 {strides = array<i32>} : memref<4096x256xi32, #tpu.memory_space<vmem>>, vector<4096x256xi32>,
    } else {
    }
    %jit3A_40 = arith.constant 2 : i32
    %eq3A_41 = arith.constant 0 : i32
    %eq3A_42 = arith.cmpi eq, %jit3A_40, %eq3A_41 : i32
    %jit3A_43 = arith.constant 1 : i32
    %select_n3A_44 = arith.select %eq3A_42, %jit3A_43, %jit3A_40 : i32
    %rem3A_45 = arith.remsi %arg0, %select_n3A_44 : i32
    %ne3A_46 = arith.constant 0 : i32
    %ne3A_47 = arith.cmpi ne, %rem3A_45, %ne3A_46 : i32
    %lt3A_48 = arith.constant 0 : i32
    %lt3A_49 = arith.cmpi slt, %rem3A_45, %lt3A_48 : i32
    %lt3A_50 = arith.constant 0 : i32
    %lt3A_51 = arith.cmpi slt, %select_n3A_44, %lt3A_50 : i32
    %ne3A_52 = arith.xori %lt3A_49, %lt3A_51 : i1
    %and3A_53 = arith.andi %ne3A_52, %ne3A_47 : i1
    %add3A_54 = arith.addi %rem3A_45, %select_n3A_44 : i32
    %select_n3A_55 = arith.select %and3A_53, %add3A_54, %rem3A_45 : i32
    %eq3A_56 = arith.constant 1 : i32
    %eq3A_57 = arith.cmpi eq, %select_n3A_55, %eq3A_56 : i32
    %convert_element_type3A_58 = arith.extui %eq3A_57 : i1 to i32
    %cond3A_59 = arith.constant 0 : i32
    %cond3A_60 = arith.cmpi ne, %convert_element_type3A_58, %cond3A_59 : i32
    scf.if %cond3A_60 {
      %get3A_61 = arith.constant 0 : index
      %get3A_62 = arith.constant 0 : index
      %get3A_63 = vector.load %arg3[%get3A_61, %get3A_62] : memref<4096x256xi32, #tpu.memory_space<vmem>>, vector<4096x256xi32>
      %mul3A_64 = arith.constant 2 : i32
      %mul3A_65 = vector.broadcast %mul3A_64 : i32 to vector<4096x256xi32>
      %mul3A_66 = arith.muli %mul3A_65, %convert_element_type3A_24 : vector<4096x256xi32>
      %add3A_67 = arith.addi %get3A_63, %mul3A_66 : vector<4096x256xi32>
      %swap3A_68 = arith.constant 0 : index
      %swap3A_69 = arith.constant 0 : index
      %swap3A_70 = vector.load %arg3[%swap3A_68, %swap3A_69] : memref<4096x256xi32, #tpu.memory_space<vmem>>, vector<4096x256xi32>
      tpu.vector_store %arg3[%swap3A_68, %swap3A_69], %add3A_67 {strides = array<i32>} : memref<4096x256xi32, #tpu.memory_space<vmem>>, vector<4096x256xi32>,
    } else {
    }
    return
  }
  func.func @transform_0(%arg0: i32) -> (i32, i32) {
    %jit3A = arith.constant 2 : i32
    %div3A = arith.divsi %arg0, %jit3A : i32
    %sign3A = arith.constant 0 : i32
    %sign3A_0 = arith.cmpi sgt, %arg0, %sign3A : i32
    %sign3A_1 = arith.extui %sign3A_0 : i1 to i32
    %sign3A_2 = arith.constant 0 : i32
    %sign3A_3 = arith.cmpi slt, %arg0, %sign3A_2 : i32
    %sign3A_4 = arith.extui %sign3A_3 : i1 to i32
    %sign3A_5 = arith.subi %sign3A_1, %sign3A_4 : i32
    %sign3A_6 = arith.constant 0 : i32
    %sign3A_7 = arith.cmpi sgt, %jit3A, %sign3A_6 : i32
    %sign3A_8 = arith.extui %sign3A_7 : i1 to i32
    %sign3A_9 = arith.constant 0 : i32
    %sign3A_10 = arith.cmpi slt, %jit3A, %sign3A_9 : i32
    %sign3A_11 = arith.extui %sign3A_10 : i1 to i32
    %sign3A_12 = arith.subi %sign3A_8, %sign3A_11 : i32
    %ne3A = arith.cmpi ne, %sign3A_5, %sign3A_12 : i32
    %rem3A = arith.remsi %arg0, %jit3A : i32
    %ne3A_13 = arith.constant 0 : i32
    %ne3A_14 = arith.cmpi ne, %rem3A, %ne3A_13 : i32
    %and3A = arith.andi %ne3A, %ne3A_14 : i1
    %sub3A = arith.constant 1 : i32
    %sub3A_15 = arith.subi %div3A, %sub3A : i32
    %select_n3A = arith.select %and3A, %sub3A_15, %div3A : i32
    %jit3A_16 = arith.constant 2 : i32
    %eq3A = arith.constant 0 : i32
    %eq3A_17 = arith.cmpi eq, %jit3A_16, %eq3A : i32
    %jit3A_18 = arith.constant 1 : i32
    %select_n3A_19 = arith.select %eq3A_17, %jit3A_18, %jit3A_16 : i32
    %rem3A_20 = arith.remsi %arg0, %select_n3A_19 : i32
    %ne3A_21 = arith.constant 0 : i32
    %ne3A_22 = arith.cmpi ne, %rem3A_20, %ne3A_21 : i32
    %lt3A = arith.constant 0 : i32
    %lt3A_23 = arith.cmpi slt, %rem3A_20, %lt3A : i32
    %lt3A_24 = arith.constant 0 : i32
    %lt3A_25 = arith.cmpi slt, %select_n3A_19, %lt3A_24 : i32
    %ne3A_26 = arith.xori %lt3A_23, %lt3A_25 : i1
    %and3A_27 = arith.andi %ne3A_26, %ne3A_22 : i1
    %add3A = arith.addi %rem3A_20, %select_n3A_19 : i32
    %select_n3A_28 = arith.select %and3A_27, %add3A, %rem3A_20 : i32
    %mul3A = arith.constant 8 : i32
    %mul3A_29 = arith.muli %select_n3A_28, %mul3A : i32
    %add3A_30 = arith.addi %select_n3A, %mul3A_29 : i32
    %c0_i32 = arith.constant 0 : i32
    %c0_i32_31 = arith.constant 0 : i32
    return %add3A_30, %c0_i32 : i32, i32
  }
  func.func @transform_1(%arg0: i32) -> (i32, i32) {
    %jit3A = arith.constant 2 : i32
    %div3A = arith.divsi %arg0, %jit3A : i32
    %sign3A = arith.constant 0 : i32
    %sign3A_0 = arith.cmpi sgt, %arg0, %sign3A : i32
    %sign3A_1 = arith.extui %sign3A_0 : i1 to i32
    %sign3A_2 = arith.constant 0 : i32
    %sign3A_3 = arith.cmpi slt, %arg0, %sign3A_2 : i32
    %sign3A_4 = arith.extui %sign3A_3 : i1 to i32
    %sign3A_5 = arith.subi %sign3A_1, %sign3A_4 : i32
    %sign3A_6 = arith.constant 0 : i32
    %sign3A_7 = arith.cmpi sgt, %jit3A, %sign3A_6 : i32
    %sign3A_8 = arith.extui %sign3A_7 : i1 to i32
    %sign3A_9 = arith.constant 0 : i32
    %sign3A_10 = arith.cmpi slt, %jit3A, %sign3A_9 : i32
    %sign3A_11 = arith.extui %sign3A_10 : i1 to i32
    %sign3A_12 = arith.subi %sign3A_8, %sign3A_11 : i32
    %ne3A = arith.cmpi ne, %sign3A_5, %sign3A_12 : i32
    %rem3A = arith.remsi %arg0, %jit3A : i32
    %ne3A_13 = arith.constant 0 : i32
    %ne3A_14 = arith.cmpi ne, %rem3A, %ne3A_13 : i32
    %and3A = arith.andi %ne3A, %ne3A_14 : i1
    %sub3A = arith.constant 1 : i32
    %sub3A_15 = arith.subi %div3A, %sub3A : i32
    %select_n3A = arith.select %and3A, %sub3A_15, %div3A : i32
    %jit3A_16 = arith.constant 2 : i32
    %eq3A = arith.constant 0 : i32
    %eq3A_17 = arith.cmpi eq, %jit3A_16, %eq3A : i32
    %jit3A_18 = arith.constant 1 : i32
    %select_n3A_19 = arith.select %eq3A_17, %jit3A_18, %jit3A_16 : i32
    %rem3A_20 = arith.remsi %arg0, %select_n3A_19 : i32
    %ne3A_21 = arith.constant 0 : i32
    %ne3A_22 = arith.cmpi ne, %rem3A_20, %ne3A_21 : i32
    %lt3A = arith.constant 0 : i32
    %lt3A_23 = arith.cmpi slt, %rem3A_20, %lt3A : i32
    %lt3A_24 = arith.constant 0 : i32
    %lt3A_25 = arith.cmpi slt, %select_n3A_19, %lt3A_24 : i32
    %ne3A_26 = arith.xori %lt3A_23, %lt3A_25 : i1
    %and3A_27 = arith.andi %ne3A_26, %ne3A_22 : i1
    %add3A = arith.addi %rem3A_20, %select_n3A_19 : i32
    %select_n3A_28 = arith.select %and3A_27, %add3A, %rem3A_20 : i32
    %mul3A = arith.constant 8 : i32
    %mul3A_29 = arith.muli %select_n3A_28, %mul3A : i32
    %add3A_30 = arith.addi %select_n3A, %mul3A_29 : i32
    %c0_i32 = arith.constant 0 : i32
    %c0_i32_31 = arith.constant 0 : i32
    return %add3A_30, %c0_i32 : i32, i32
  }
  func.func @transform_2(%arg0: i32) -> (i32, i32) {
    %jit3A = arith.constant 2 : i32
    %div3A = arith.divsi %arg0, %jit3A : i32
    %sign3A = arith.constant 0 : i32
    %sign3A_0 = arith.cmpi sgt, %arg0, %sign3A : i32
    %sign3A_1 = arith.extui %sign3A_0 : i1 to i32
    %sign3A_2 = arith.constant 0 : i32
    %sign3A_3 = arith.cmpi slt, %arg0, %sign3A_2 : i32
    %sign3A_4 = arith.extui %sign3A_3 : i1 to i32
    %sign3A_5 = arith.subi %sign3A_1, %sign3A_4 : i32
    %sign3A_6 = arith.constant 0 : i32
    %sign3A_7 = arith.cmpi sgt, %jit3A, %sign3A_6 : i32
    %sign3A_8 = arith.extui %sign3A_7 : i1 to i32
    %sign3A_9 = arith.constant 0 : i32
    %sign3A_10 = arith.cmpi slt, %jit3A, %sign3A_9 : i32
    %sign3A_11 = arith.extui %sign3A_10 : i1 to i32
    %sign3A_12 = arith.subi %sign3A_8, %sign3A_11 : i32
    %ne3A = arith.cmpi ne, %sign3A_5, %sign3A_12 : i32
    %rem3A = arith.remsi %arg0, %jit3A : i32
    %ne3A_13 = arith.constant 0 : i32
    %ne3A_14 = arith.cmpi ne, %rem3A, %ne3A_13 : i32
    %and3A = arith.andi %ne3A, %ne3A_14 : i1
    %sub3A = arith.constant 1 : i32
    %sub3A_15 = arith.subi %div3A, %sub3A : i32
    %select_n3A = arith.select %and3A, %sub3A_15, %div3A : i32
    %c0_i32 = arith.constant 0 : i32
    %c0_i32_16 = arith.constant 0 : i32
    return %c0_i32, %select_n3A : i32, i32
  }
}

module attributes {stable_mosaic.version = 14 : i64} {
  func.func @_mmf_body(%arg0: i32, %arg1: i32, %arg2: memref<512x2048xi32, #tpu.memory_space<vmem>>, %arg3: memref<512x2048xi32, #tpu.memory_space<vmem>>, %arg4: memref<512x256xf32, #tpu.memory_space<vmem>>, %arg5: memref<512x1xf32, #tpu.memory_space<vmem>>, %arg6: memref<512x2048xf32, #tpu.memory_space<vmem>>, %arg7: memref<512x256xf32, #tpu.memory_space<vmem>>, %arg8: memref<512x1xf32, #tpu.memory_space<vmem>>) attributes {dimension_semantics = [#tpu.dimension_semantics<arbitrary>, #tpu.dimension_semantics<arbitrary>], iteration_bounds = array<i64: 4, 4>, scalar_prefetch = 0 : i64, scratch_operands = 1 : i64, tpu.core_type = #tpu.core_type<tc>, window_params = [{transform_indices = @transform_0, window_bounds = array<i64: 512, 2048>}, {transform_indices = @transform_1, window_bounds = array<i64: 512, 2048>}, {transform_indices = @transform_2, window_bounds = array<i64: 512, 256>}, {transform_indices = @transform_3, window_bounds = array<i64: 512, 1>}, {transform_indices = @transform_4, window_bounds = array<i64: 512, 2048>}, {transform_indices = @transform_5, window_bounds = array<i64: 512, 256>}]} {
    %get3A = arith.constant 0 : index
    %get3A_0 = arith.constant 0 : index
    %get3A_1 = vector.load %arg2[%get3A, %get3A_0] : memref<512x2048xi32, #tpu.memory_space<vmem>>, vector<512x2048xi32>
    %get3A_2 = arith.constant 0 : index
    %get3A_3 = arith.constant 0 : index
    %get3A_4 = vector.load %arg3[%get3A_2, %get3A_3] : memref<512x2048xi32, #tpu.memory_space<vmem>>, vector<512x2048xi32>
    %and3A = arith.constant 1 : i32
    %and3A_5 = vector.broadcast %and3A : i32 to vector<512x2048xi32>
    %and3A_6 = arith.andi %get3A_1, %and3A_5 : vector<512x2048xi32>
    %convert_element_type3A = arith.sitofp %and3A_6 : vector<512x2048xi32> to vector<512x2048xbf16>
    %shift_right_arithmetic3A = arith.constant 1 : i32
    %shift_right_arithmetic3A_7 = vector.broadcast %shift_right_arithmetic3A : i32 to vector<512x2048xi32>
    %shift_right_arithmetic3A_8 = arith.shrsi %get3A_1, %shift_right_arithmetic3A_7 : vector<512x2048xi32>
    %convert_element_type3A_9 = arith.sitofp %shift_right_arithmetic3A_8 : vector<512x2048xi32> to vector<512x2048xbf16>
    %and3A_10 = arith.constant 1 : i32
    %and3A_11 = vector.broadcast %and3A_10 : i32 to vector<512x2048xi32>
    %and3A_12 = arith.andi %get3A_4, %and3A_11 : vector<512x2048xi32>
    %convert_element_type3A_13 = arith.sitofp %and3A_12 : vector<512x2048xi32> to vector<512x2048xbf16>
    %shift_right_arithmetic3A_14 = arith.constant 1 : i32
    %shift_right_arithmetic3A_15 = vector.broadcast %shift_right_arithmetic3A_14 : i32 to vector<512x2048xi32>
    %shift_right_arithmetic3A_16 = arith.shrsi %get3A_4, %shift_right_arithmetic3A_15 : vector<512x2048xi32>
    %convert_element_type3A_17 = arith.sitofp %shift_right_arithmetic3A_16 : vector<512x2048xi32> to vector<512x2048xbf16>
    %dot_general3A = arith.constant dense<0.000000e+00> : vector<512x512xf32>
    %dot_general3A_18 = tpu.matmul %convert_element_type3A, %convert_element_type3A_13, %dot_general3A {dimension_numbers = #tpu.dot_dimension_numbers<[1], [1], [0], [0], [0, 0, 1, 0], [], []>, transpose_lhs_hint = false} : vector<512x2048xbf16>, vector<512x2048xbf16>, vector<512x512xf32> -> vector<512x512xf32>
    %dot_general3A_19 = arith.constant dense<0.000000e+00> : vector<512x512xf32>
    %dot_general3A_20 = tpu.matmul %convert_element_type3A_9, %convert_element_type3A_17, %dot_general3A_19 {dimension_numbers = #tpu.dot_dimension_numbers<[1], [1], [0], [0], [0, 0, 1, 0], [], []>, transpose_lhs_hint = false} : vector<512x2048xbf16>, vector<512x2048xbf16>, vector<512x512xf32> -> vector<512x512xf32>
    %add3A = arith.addf %dot_general3A_18, %dot_general3A_20 : vector<512x512xf32>
    %ne3A = arith.constant 0.000000e+00 : f32
    %ne3A_21 = vector.broadcast %ne3A : f32 to vector<512x512xf32>
    %ne3A_22 = arith.cmpf one, %add3A, %ne3A_21 : vector<512x512xf32>
    %convert_element_type3A_23 = arith.extui %ne3A_22 : vector<512x512xi1> to vector<512x512xi32>
    %convert_element_type3A_24 = arith.sitofp %convert_element_type3A_23 : vector<512x512xi32> to vector<512x512xf32>
    %reduce_sum3A = arith.constant dense<0.000000e+00> : vector<512xf32>
    %reduce_sum3A_25 = vector.multi_reduction <add>, %convert_element_type3A_24, %reduce_sum3A [1] : vector<512x512xf32> to vector<512xf32>
    %broadcast_in_dim3A = vector.shape_cast %reduce_sum3A_25 : vector<512xf32> to vector<512x1xf32>
    %eq3A = arith.constant 0 : i32
    %eq3A_26 = arith.cmpi eq, %arg1, %eq3A : i32
    %convert_element_type3A_27 = arith.extui %eq3A_26 : i1 to i32
    %cond3A = arith.constant 0 : i32
    %cond3A_28 = arith.cmpi ne, %convert_element_type3A_27, %cond3A : i32
    scf.if %cond3A_28 {
      %swap3A = arith.constant 0 : index
      %swap3A_42 = arith.constant 0 : index
      %swap3A_43 = vector.load %arg8[%swap3A, %swap3A_42] : memref<512x1xf32, #tpu.memory_space<vmem>>, vector<512x1xf32>
      tpu.vector_store %arg8[%swap3A, %swap3A_42], %broadcast_in_dim3A {strides = array<i32>} : memref<512x1xf32, #tpu.memory_space<vmem>>, vector<512x1xf32>,
      %swap3A_44 = arith.constant 0 : index
      %swap3A_45 = arith.constant 0 : index
      %swap3A_46 = vector.load %arg6[%swap3A_44, %swap3A_45] : memref<512x2048xf32, #tpu.memory_space<vmem>>, vector<512x512xf32>
      tpu.vector_store %arg6[%swap3A_44, %swap3A_45], %convert_element_type3A_24 {strides = array<i32>} : memref<512x2048xf32, #tpu.memory_space<vmem>>, vector<512x512xf32>,
    } else {
    }
    %ne3A_29 = arith.constant 0 : i32
    %ne3A_30 = arith.cmpi ne, %arg1, %ne3A_29 : i32
    %ne3A_31 = arith.constant 3 : i32
    %ne3A_32 = arith.cmpi ne, %arg1, %ne3A_31 : i32
    %and3A_33 = arith.andi %ne3A_30, %ne3A_32 : i1
    %convert_element_type3A_34 = arith.extui %and3A_33 : i1 to i32
    %cond3A_35 = arith.constant 0 : i32
    %cond3A_36 = arith.cmpi ne, %convert_element_type3A_34, %cond3A_35 : i32
    scf.if %cond3A_36 {
      %get3A_42 = arith.constant 0 : index
      %get3A_43 = arith.constant 0 : index
      %get3A_44 = vector.load %arg8[%get3A_42, %get3A_43] : memref<512x1xf32, #tpu.memory_space<vmem>>, vector<512x1xf32>
      %add3A_45 = arith.addf %get3A_44, %broadcast_in_dim3A : vector<512x1xf32>
      %swap3A = arith.constant 0 : index
      %swap3A_46 = arith.constant 0 : index
      %swap3A_47 = vector.load %arg8[%swap3A, %swap3A_46] : memref<512x1xf32, #tpu.memory_space<vmem>>, vector<512x1xf32>
      tpu.vector_store %arg8[%swap3A, %swap3A_46], %add3A_45 {strides = array<i32>} : memref<512x1xf32, #tpu.memory_space<vmem>>, vector<512x1xf32>,
      %mul3A = arith.constant 512 : i32
      %mul3A_48 = arith.muli %arg1, %mul3A : i32
      %swap3A_49 = arith.constant 0 : index
      %swap3A_50 = arith.index_cast %mul3A_48 : i32 to index
      %swap3A_51 = vector.load %arg6[%swap3A_49, %swap3A_50] : memref<512x2048xf32, #tpu.memory_space<vmem>>, vector<512x512xf32>
      tpu.vector_store %arg6[%swap3A_49, %swap3A_50], %convert_element_type3A_24 {strides = array<i32>} : memref<512x2048xf32, #tpu.memory_space<vmem>>, vector<512x512xf32>,
    } else {
    }
    %eq3A_37 = arith.constant 3 : i32
    %eq3A_38 = arith.cmpi eq, %arg1, %eq3A_37 : i32
    %convert_element_type3A_39 = arith.extui %eq3A_38 : i1 to i32
    %cond3A_40 = arith.constant 0 : i32
    %cond3A_41 = arith.cmpi ne, %convert_element_type3A_39, %cond3A_40 : i32
    scf.if %cond3A_41 {
      %get3A_42 = arith.constant 0 : index
      %get3A_43 = arith.constant 0 : index
      %get3A_44 = vector.load %arg8[%get3A_42, %get3A_43] : memref<512x1xf32, #tpu.memory_space<vmem>>, vector<512x1xf32>
      %add3A_45 = arith.addf %get3A_44, %broadcast_in_dim3A : vector<512x1xf32>
      %eq3A_46 = arith.constant 0.000000e+00 : f32
      %eq3A_47 = vector.broadcast %eq3A_46 : f32 to vector<512x1xf32>
      %eq3A_48 = arith.cmpf oeq, %add3A_45, %eq3A_47 : vector<512x1xf32>
      %jit3A = arith.constant 1.000000e+00 : f32
      %broadcast_in_dim3A_49 = vector.broadcast %jit3A : f32 to vector<512x1xf32>
      %select_n3A = arith.select %eq3A_48, %broadcast_in_dim3A_49, %add3A_45 : vector<512x1xi1>, vector<512x1xf32>
      %div3A = arith.constant 1.000000e+00 : f32
      %div3A_50 = vector.broadcast %div3A : f32 to vector<512x1xf32>
      %div3A_51 = arith.divf %div3A_50, %select_n3A : vector<512x1xf32>
      %get3A_52 = arith.constant 0 : index
      %get3A_53 = arith.constant 0 : index
      %get3A_54 = vector.load %arg6[%get3A_52, %get3A_53] : memref<512x2048xf32, #tpu.memory_space<vmem>>, vector<512x1536xf32>
      %mul3A = vector.broadcast %div3A_51 : vector<512x1xf32> to vector<512x1536xf32>
      %mul3A_55 = arith.mulf %get3A_54, %mul3A : vector<512x1536xf32>
      %swap3A = arith.constant 0 : index
      %swap3A_56 = arith.constant 0 : index
      %swap3A_57 = vector.load %arg6[%swap3A, %swap3A_56] : memref<512x2048xf32, #tpu.memory_space<vmem>>, vector<512x1536xf32>
      tpu.vector_store %arg6[%swap3A, %swap3A_56], %mul3A_55 {strides = array<i32>} : memref<512x2048xf32, #tpu.memory_space<vmem>>, vector<512x1536xf32>,
      %mul3A_58 = vector.broadcast %div3A_51 : vector<512x1xf32> to vector<512x512xf32>
      %mul3A_59 = arith.mulf %convert_element_type3A_24, %mul3A_58 : vector<512x512xf32>
      %swap3A_60 = arith.constant 0 : index
      %swap3A_61 = arith.constant 1536 : index
      %swap3A_62 = vector.load %arg6[%swap3A_60, %swap3A_61] : memref<512x2048xf32, #tpu.memory_space<vmem>>, vector<512x512xf32>
      tpu.vector_store %arg6[%swap3A_60, %swap3A_61], %mul3A_59 {strides = array<i32>} : memref<512x2048xf32, #tpu.memory_space<vmem>>, vector<512x512xf32>,
      %get3A_63 = arith.constant 0 : index
      %get3A_64 = arith.constant 0 : index
      %get3A_65 = vector.load %arg4[%get3A_63, %get3A_64] : memref<512x256xf32, #tpu.memory_space<vmem>>, vector<512x256xf32>
      %get3A_66 = arith.constant 0 : index
      %get3A_67 = arith.constant 0 : index
      %get3A_68 = vector.load %arg5[%get3A_66, %get3A_67] : memref<512x1xf32, #tpu.memory_space<vmem>>, vector<512x1xf32>
      %mul3A_69 = vector.broadcast %get3A_68 : vector<512x1xf32> to vector<512x256xf32>
      %mul3A_70 = arith.mulf %get3A_65, %mul3A_69 : vector<512x256xf32>
      %swap3A_71 = arith.constant 0 : index
      %swap3A_72 = arith.constant 0 : index
      %swap3A_73 = vector.load %arg7[%swap3A_71, %swap3A_72] : memref<512x256xf32, #tpu.memory_space<vmem>>, vector<512x256xf32>
      tpu.vector_store %arg7[%swap3A_71, %swap3A_72], %mul3A_70 {strides = array<i32>} : memref<512x256xf32, #tpu.memory_space<vmem>>, vector<512x256xf32>,
    } else {
    }
    return
  }
  func.func @transform_0(%arg0: i32, %arg1: i32) -> (i32, i32) {
    %c0_i32 = arith.constant 0 : i32
    %c0_i32_0 = arith.constant 0 : i32
    return %arg0, %c0_i32 : i32, i32
  }
  func.func @transform_1(%arg0: i32, %arg1: i32) -> (i32, i32) {
    %c0_i32 = arith.constant 0 : i32
    %c0_i32_0 = arith.constant 0 : i32
    return %arg1, %c0_i32 : i32, i32
  }
  func.func @transform_2(%arg0: i32, %arg1: i32) -> (i32, i32) {
    %c0_i32 = arith.constant 0 : i32
    %c0_i32_0 = arith.constant 0 : i32
    return %arg0, %c0_i32 : i32, i32
  }
  func.func @transform_3(%arg0: i32, %arg1: i32) -> (i32, i32) {
    %c0_i32 = arith.constant 0 : i32
    %c0_i32_0 = arith.constant 0 : i32
    return %arg0, %c0_i32 : i32, i32
  }
  func.func @transform_4(%arg0: i32, %arg1: i32) -> (i32, i32) {
    %c0_i32 = arith.constant 0 : i32
    %c0_i32_0 = arith.constant 0 : i32
    return %arg0, %c0_i32 : i32, i32
  }
  func.func @transform_5(%arg0: i32, %arg1: i32) -> (i32, i32) {
    %c0_i32 = arith.constant 0 : i32
    %c0_i32_0 = arith.constant 0 : i32
    return %arg0, %c0_i32 : i32, i32
  }
}

</mosaic_0001>

<sc_bundles>
// kernel: kernel.7.cloned.1.call-start
scs
__scs_entry_jumppad:
0x0: {  	(pc) =	sbr.rel $0x88, $3  }
0x1: {  	(tag) =	ssettag $0x0;
	lr =	simm.s32 $0x1  }
0x2: {  	[smem:$0x3F9D] =	sst lr;
	_ =	strace $0xD0000000  }
0x3: {  	_ = 	snop  }
0x4: {  	_ = 	snop  }
0x5: {  	_ = 	snop  }
0x6: {  	_ = 	snop  }
0x7: {  	_ = 	snop  }
__scs_overlays_trampoline_lowered:
0x8: {  	[smem:$0x3FAC] =	sst s0  }
0x9: {  	[smem:$0x3FAD] =	sst s1  }
0xa: {  	[smem:$0x3FAE] =	sst s2  }
0xb: {  	[smem:$0x3FAF] =	sst s3  }
0xc: {  	[smem:$0x3FB0] =	sst s4  }
0xd: {  	[smem:$0x3FB1] =	sst s5  }
0xe: {  	[smem:$0x3FB2] =	sst s6  }
0xf: {  	[smem:$0x3FB3] =	sst s7  }
0x10: {  	[smem:$0x3FB4] =	sst s8  }
0x11: {  	[smem:$0x3FB5] =	sst s9;
	s0 =	simm.s32 @!p0 $0x0  }
0x12: {  	s1 =	sld [smem:$0x3F9B];
	s0 =	simm.s32 @p0 $0x1  }
0x13: {  	[smem:$0x3FB6] =	sst s0;
	s0 =	simm.s32 @!p1 $0x0  }
0x14: {  	s2 =	sld [smem:$0x3F9A];
	s0 =	simm.s32 @p1 $0x1  }
0x15: {  	[smem:$0x3FB7] =	sst s0;
	s0 =	simm.s32 @!p2 $0x0  }
0x16: {  	s3 =	sld [smem:$0x3FDB];
	s0 =	simm.s32 @p2 $0x1  }
0x17: {  	s4 =	simm.s32 $0x1BF5;
	[smem:$0x3FB9] =	sst s0  }
0x18: {  	s0 =	sld [smem:$0x3F9C];
	_ =	swait.ge [sflag:s4], $0x0  }
0x19: {  	s7 =	sld [smem:$0x3F9D]  }
0x1a: {  	s8 =	sadd.s32 $0xFFFFE003, lr  }
0x1b: {  	s9 =	sadd.s32 $0xFFFFFEF7, lr;
	s5 =	simm.s32 $0xFFFFFFFF;
	p2 =	slt.u32 s8, $0xFFFFF086  }
0x1c: {  	p1 =	slt.u32 s9, $0xF7A;
	s5 =	simm.s32 @!p2 $0x0  }
0x1d: {  	s5 =	simm.s32 @p1 $0x1;
	p0 =	seq.s32 s7, s2  }
0x1e: {  	s7 =	smul.u32 @!p0 $0xF7A, s2;
	p2 =	seq.s32 @!p0 s5, $0x0  }
0x1f: {  	s9 =	smul.u32 $0xF7A, s1;
	s8 =	simm.s32 @!p0 $0x1BF5;
	p2 =	por !p2, p0  }
0x20: {  	[sflag:s8] =	ssyncset.s32 @!p0 $0xFFFFF086;
	s6 =	sadd.s32 @!p0 s3, s7;
	s7 =	simm.s32 @!p0 $0x108  }
0x21: {  	s3 =	sadd.s32 s3, s9;
	s6 =	sadd.s32 @!p0 $0x88, s6;
	s7 =	simm.s32 @p2 $0x1082  }
0x22: {  	[simem:s7], [sflag:s8] =	dma.local @!p0 [hbm:s6], $0xF7A  }
0x23: {  	s9 =	sor.u32 $0xD0000000, s2;
	s6 =	simm.s32 $0x108;
	_ =	swait.ge @!p0 [sflag:s8], $0x0  }
0x24: {  	s3 =	sadd.s32 $0x88, s3;
	s6 =	simm.s32 @!p1 $0x1082;
	[sflag:s4] =	ssyncset.s32 $0xFFFFF086  }
0x25: {  	[simem:s6], [sflag:s4] =	dma.local [hbm:s3], $0xF7A  }
0x26: {  	[smem:$0x3F9D] =	sst s1;
	(tag) =	ssettag s2;
	_ =	strace s9  }
0x27: {  	s1 =	sld [smem:$0x3FAD]  }
0x28: {  	s2 =	sld [smem:$0x3FAE]  }
0x29: {  	s4 =	sld [smem:$0x3FB0]  }
0x2a: {  	p0 =	seq.s32 s5, $0x0;
	s5 =	sld [smem:$0x3FB1]  }
0x2b: {  	s6 =	sld [smem:$0x3FB2]  }
0x2c: {  	s7 =	sld [smem:$0x3FB3]  }
0x2d: {  	s3 =	simm.s32 $0x108;
	s8 =	sld [smem:$0x3FB4]  }
0x2e: {  	s3 =	simm.s32 @!p0 $0x1082;
	s9 =	sld [smem:$0x3FB5]  }
0x2f: {  	lr =	sadd.s32 s0, s3;
	s0 =	sld [smem:$0x3FAC]  }
0x30: {  	s3 =	sld [smem:$0x3FAF]  }
0x31: {  	[smem:$0x3FB8] =	sst s10  }
0x32: {  	s10 =	sld [smem:$0x3FB6];
	_ =	sdelay $0x3  }
0x33: {  	p0 =	seq.s32 s10, $0x1;
	s10 =	sld [smem:$0x3FB8];
	_ =	sdelay $0x3  }
0x34: {  	[smem:$0x3FB8] =	sst s10  }
0x35: {  	s10 =	sld [smem:$0x3FB7];
	_ =	sdelay $0x3  }
0x36: {  	p1 =	seq.s32 s10, $0x1;
	s10 =	sld [smem:$0x3FB8];
	_ =	sdelay $0x3  }
0x37: {  	[smem:$0x3FB8] =	sst s10  }
0x38: {  	s10 =	sld [smem:$0x3FB9]  }
0x39: {  	_ = 	snop;
	(pc) =	sbr.ind lr, $3  }
0x3a: {  	_ = 	snop  }
0x3b: {  	_ = 	snop  }
0x3c: {  	p2 =	seq.s32 s10, $0x1;
	s10 =	sld [smem:$0x3FB8]  }
0x3d: {  	_ =	shalt  }
0x3e: {  	_ =	shalt  }
0x3f: {  	_ =	shalt  }
0x40: {  	_ =	shalt  }
0x41: {  	_ =	shalt  }
0x42: {  	_ =	shalt  }
0x43: {  	_ =	shalt  }
0x44: {  	_ =	shalt  }
0x45: {  	_ =	shalt  }
0x46: {  	_ =	shalt  }
0x47: {  	_ =	shalt  }
0x48: {  	_ =	shalt  }
0x49: {  	_ =	shalt  }
0x4a: {  	_ =	shalt  }
0x4b: {  	_ =	shalt  }
0x4c: {  	_ =	shalt  }
0x4d: {  	_ =	shalt  }
0x4e: {  	_ =	shalt  }
0x4f: {  	_ =	shalt  }
0x50: {  	_ =	shalt  }
0x51: {  	_ =	shalt  }
0x52: {  	_ =	shalt  }
0x53: {  	_ =	shalt  }
0x54: {  	_ =	shalt  }
0x55: {  	_ =	shalt  }
0x56: {  	_ =	shalt  }
0x57: {  	_ =	shalt  }
0x58: {  	_ =	shalt  }
0x59: {  	_ =	shalt  }
0x5a: {  	_ =	shalt  }
0x5b: {  	_ =	shalt  }
0x5c: {  	_ =	shalt  }
0x5d: {  	_ =	shalt  }
0x5e: {  	_ =	shalt  }
0x5f: {  	_ =	shalt  }
0x60: {  	_ =	shalt  }
0x61: {  	_ =	shalt  }
0x62: {  	_ =	shalt  }
0x63: {  	_ =	shalt  }
0x64: {  	_ =	shalt  }
0x65: {  	_ =	shalt  }
0x66: {  	_ =	shalt  }
0x67: {  	_ =	shalt  }
0x68: {  	_ =	shalt  }
0x69: {  	_ =	shalt  }
0x6a: {  	_ =	shalt  }
0x6b: {  	_ =	shalt  }
0x6c: {  	_ =	shalt  }
0x6d: {  	_ =	shalt  }
0x6e: {  	_ =	shalt  }
0x6f: {  	_ =	shalt  }
0x70: {  	_ =	shalt  }
0x71: {  	_ =	shalt  }
0x72: {  	_ =	shalt  }
0x73: {  	_ =	shalt  }
0x74: {  	_ =	shalt  }
0x75: {  	_ =	shalt  }
0x76: {  	_ =	shalt  }
0x77: {  	_ =	shalt  }
0x78: {  	_ =	shalt  }
0x79: {  	_ =	shalt  }
0x7a: {  	_ =	shalt  }
0x7b: {  	_ =	shalt  }
0x7c: {  	_ =	shalt  }
0x7d: {  	_ =	shalt  }
0x7e: {  	_ =	shalt  }
0x7f: {  	_ =	shalt  }
0x80: {  	_ =	shalt  }
0x81: {  	_ =	shalt  }
0x82: {  	_ =	shalt  }
0x83: {  	_ =	shalt  }
0x84: {  	_ =	shalt  }
0x85: {  	_ =	shalt  }
0x86: {  	_ =	shalt  }
0x87: {  	_ =	shalt  }
.Lfunc_end0:
.L_simem_size_0:
called_computation_lowered:
.L_overlay_start_0:
0x88: {  	s2 =	sld [smem:$0x3FD9]  }
0x89: {  	s3 =	sld [smem:$0x3FFE];
	_ =	sdelay $0x1  }
0x8a: {  	s1 =	srdreg.scid  }
0x8b: {  	s0 =	sand.u32 $0x1, s1  }
0x8c: {  	s14 =	sshll.u32 s0, $0xA;
	s2 =	sadd.s32 s3, s2  }
0x8d: {  	s2 =	sadd.s32 s2, s14  }
0x8e: {  	[smem:$0x3FC4] =	sst s2  }
0x8f: {  	_ = 	snop  }
0x90: {  	s2 =	sld [smem:$0x3FD0];
	_ =	sdelay $0x2  }
0x91: {  	s4 =	simm.s32 $0xA;
	s5 =	simm.s32 $0x10;
	s15 =	sld [smem:$0x3FC8]  }
0x92: {  	[smem:s5], [sflag:s4] =	dma.local [hbm:s2], $0x1  }
0x93: {  	_ =	swait.eq [sflag:s4], $0x1  }
0x94: {  	s16 =	sld [smem:$0x10];
	[sflag:s4] =	ssyncset.done $0x0  }
0x95: {  	s17 =	sld [smem:$0x11];
	[sflag:s4] =	ssyncadd.s32 $0xFFFFFFFF  }
0x96: {  	s18 =	sld [smem:$0x12];
	(tm) =	ssettm $0x1  }
0x97: {  	s6 =	sld [smem:$0x3FFB];
	_ =	sdelay $0x3  }
0x98: {  	_ =	strace s6  }
0x99: {  	s6 =	sld [smem:$0x3FFC];
	_ =	sdelay $0x3  }
0x9a: {  	_ =	strace s6  }
0x9b: {  	s6 =	sld [smem:$0x3FFD];
	_ =	sdelay $0x3  }
0x9c: {  	_ =	strace s6  }
0x9d: {  	_ =	strace $0x8FFFFFFF  }
0x9e: {  	s19 =	sld [smem:$0x3FDB];
	_ =	sdelay $0x1  }
0x9f: {  	s7 =	simm.s32 $_scs_section_size  }
0xa0: {  	s8 =	simm.s32 $_size__tile_overlayer_lowered;
	s9 =	simm.s32 $_tile_overlayer_lowered  }
0xa1: {  	s22 =	simm.s32 $0x1BFF;
	s21 =	sshll.u32 s9, $0x1;
	s6 =	sadd.s32 s7, s19  }
0xa2: {  	s10 =	simm.s32 $0x0;
	s20 =	sshll.u32 s8, $0x1;
	s8 =	sadd.s32 s21, s6  }
0xa3: {  	[timem:s10], [sflag:s22] =	dma.local [hbm:s8], s20  }
0xa4: {  	_ =	swait.ge [sflag:s22], s20  }
0xa5: {  	s7 =	ssub.s32 $0x0, s20;
	[sflag:s22] =	ssyncset.done $0x0  }
0xa6: {  	[sflag:s22] =	ssyncadd.s32 s7;
	_ =	sdelay $0x1  }
0xa7: {  	s23 =	simm.s32 $0x1B8B  }
0xa8: {  	_ =	swait.ge [sflag:s23], $0x1  }
0xa9: {  	[sflag:s23] =	ssyncset.done $0x0  }
0xaa: {  	s25 =	simm.s32 $0x1B8E;
	s24 =	sld [smem:$0x3FFE];
	[sflag:s23] =	ssyncadd.s32 $0xFFFFFFFF  }
0xab: {  	s26 =	simm.s32 $execute0_lowered;
	[smem:$0x3FD2] =	sst s25  }
0xac: {  	s8 =	sshll.u32 s26, $0x1;
	_ =	strace $0x80000046;
	[dreg:$0x1] =	wrdreg $0xFFFFFFFF  }
0xad: {  	s28 =	simm.s32 $_size_execute0_lowered;
	s6 =	sadd.s32 s6, s8;
	[dreg:$0x0] =	wrdreg $0x0  }
0xae: {  	s8 =	sshll.u32 s28, $0x1;
	[dreg:$0x2] =	wrdreg s6  }
0xaf: {  	[dreg:$0x3] =	wrdreg s8  }
0xb0: {  	[dreg:$0x4] =	wrdreg $0xC0  }
0xb1: {  	_ =	task [dreg:s10], $0x5FFFF  }
0xb2: {  	[dreg:$0x1] =	wrdreg $0xFFFFFFFF  }
0xb3: {  	[dreg:$0x0] =	wrdreg $0x60  }
0xb4: {  	[dreg:$0x2] =	wrdreg s24  }
0xb5: {  	[dreg:$0x3] =	wrdreg s15  }
0xb6: {  	[dreg:$0x4] =	wrdreg s18  }
0xb7: {  	[dreg:$0x5] =	wrdreg s16  }
0xb8: {  	[dreg:$0x6] =	wrdreg s17  }
0xb9: {  	[dreg:$0x7] =	wrdreg $0x9  }
0xba: {  	_ =	task.clear_ibuf [dreg:s10], $0x8FFFF;
	_ =	strace $0x90000046  }
0xbb: {  	s29 =	simm.s32 $0x9;
	_ =	strace $0x80000048  }
0xbc: {  	_ =	swait.ge [sflag:s29], $0x1  }
0xbd: {  	[sflag:s29] =	ssyncadd.s32 $0xFFFFFFFF  }
0xbe: {  	_ =	strace $0x90000048  }
0xbf: {  	_ =	sfence  }
0xc0: {  	s30 =	sld [smem:$0x0];
	_ =	sdelay $0x2  }
0xc1: {  	s31 =	sshll.u32 s1, $0xD;
	s1 =	sshrl.u32 s1, $0x2  }
0xc2: {  	s3 =	sand.u32 $0x4000, s31;
	s1 =	sadd.s32 s1, s30  }
0xc3: {  	s0 =	sor.u32 s3, s0;
	s1 =	sshll.u32 s1, $0x11  }
0xc4: {  	s0 =	sor.u32 s1, s0  }
0xc5: {  	s0 =	sadd.s32 $0x8F2B, s0  }
0xc6: {  	[sflag:s0] =	ssyncadd.remote.s32 $0x1  }
0xc7: {  	_ =	sfence.sel $0xFFFF  }
0xc8: {  	[dreg:$0x0] =	wrdreg $0xFFFFFFFF;
	(pc) =	sbr.abs _section_cstart, $3  }
0xc9: {  	[dreg:$0x1] =	wrdreg $0xFFFFFFFF  }
0xca: {  	_ =	task.clear_ibuf [dreg:s10], $0x2FFFF;
	_ =	strace $0x9FFFFFFF  }
0xcb: {  	(tm) =	ssettm $0x7FFFFFFF  }
tec
execute0_lowered:
.L_overlay_start_1:
0x0: {  	(tag) =	ssettag $0x1  }
0x1: {  	s0 =	rddreg [dreg:$0x0]  }
0x2: {  	s2 =	rddreg [dreg:$0x2]  }
0x3: {  	s12 =	rddreg [dreg:$0x3]  }
0x4: {  	s6 =	rddreg [dreg:$0x4];
	s3 =	simm.s32 $0x0  }
0x5: {  	s4 =	srdreg.scid;
	s5 =	stileid.u32;
	s23 =	simm.s32 $0x10880  }
0x6: {  	s24 =	simm.s32 $0x11080;
	s25 =	simm.s32 $0x11880;
	s26 =	simm.s32 $0x12080  }
0x7: {  	s31 =	simm.s32 $0x2;
	[smem:$0x7FF] =	sst s3;
	s7 =	sand.u32 $0x1, s4  }
0x8: {  	s8 =	sshll.u32 s5, $0x7;
	_ =	strace $0x80000047;
	[dreg:$0x10] =	wrdreg s23  }
0x9: {  	s4 =	sadd.s32 $0xC00, s0;
	s5 =	sadd.s32 $0x100C00, s0;
	[dreg:$0x11] =	wrdreg s24  }
0xa: {  	s16 =	sadd.s32 $0x200C00, s0;
	s9 =	sshll.u32 s7, $0x6;
	[dreg:$0x12] =	wrdreg s25  }
0xb: {  	s7 =	ssub.s32 $0x2, s7;
	[dreg:$0x13] =	wrdreg s26;
	s23 =	simm.s32 $0x1  }
0xc: {  	s10 =	sor.u32 s9, s8;
	s28 =	sshrl.u32 s7, $0x1;
	s9 =	sadd.s32 $0x1000, s0  }
0xd: {  	s8 =	sshrl.u32 s10, $0x3;
	s29 =	sshll.u32 s10, $0x5;
	s20 =	ssub.s32 s7, s28  }
0xe: {  	s7 =	sadd.s32 $0xE00, s0;
	s1 =	sshll.u32 s10, $0x8;
	s28 =	simm.s32 $0x12880  }
0xf: {  	s10 =	sadd.s32 $0x1100, s0;
	s2 =	sadd.s32 s2, s8;
	[dreg:$0x14] =	wrdreg s28  }
0x10: {  	s30 =	sadd.s32 s6, s29;
	s6 =	sadd.s32 $0xD00, s0;
	[dreg:$0x6] =	wrdreg s2  }
0x11: {  	s8 =	sadd.s32 $0xF00, s0;
	s11 =	sadd.s32 s12, s1;
	[dreg:$0x7] =	wrdreg s30  }
0x12: {  	s14 =	sor.u32 $0x1000, s1;
	s29 =	simm.s32 $0x13080;
	[dreg:$0x8] =	wrdreg s11  }
0x13: {  	s15 =	sor.u32 $0x2000, s1;
	s17 =	sadd.s32 s12, s14;
	[dreg:$0x15] =	wrdreg s29  }
0x14: {  	s20 =	smax.u32 s20, $0x1;
	s13 =	sadd.s32 s12, s15;
	[dreg:$0x9] =	wrdreg s17  }
0x15: {  	s11 =	sadd.s32 $0x1200, s0;
	s2 =	sadd.s32 s16, s1;
	[dreg:$0xa] =	wrdreg s13  }
0x16: {  	s19 =	sadd.s32 s16, s14;
	s14 =	sadd.s32 $0x100E00, s0;
	[dreg:$0xc] =	wrdreg s2  }
0x17: {  	s21 =	sadd.s32 s16, s15;
	s15 =	sadd.s32 $0x100F00, s0;
	[dreg:$0xd] =	wrdreg s19  }
0x18: {  	s30 =	simm.s32 $0x13880;
	s17 =	sor.u32 $0x3000, s1;
	[dreg:$0xe] =	wrdreg s21  }
0x19: {  	s13 =	sadd.s32 $0x100D00, s0;
	s19 =	sadd.s32 $0x101300, s0;
	[dreg:$0x16] =	wrdreg s30  }
0x1a: {  	v2 =	vlaneseq.u32;
	s2 =	simm.s32 $0x3;
	s18 =	sadd.s32 s12, s17;
	s12 =	sadd.s32 $0x1300, s0  }
0x1b: {  	vm0 =	vmmov $0xffff;
	v1 =	vshrl.u32 v2, $0x3;
	s22 =	sadd.s32 s16, s17;
	s16 =	sadd.s32 $0x101000, s0;
	[dreg:$0xb] =	wrdreg s18  }
0x1c: {  	v0 =	vand.u32 $0x7, v2;
	v2 =	vor.u32 $0x8, v2;
	v1 =	vmul.u32 $0x8, v1;
	s17 =	sadd.s32 $0x101100, s0;
	[dreg:$0xf] =	wrdreg s22;
	s18 =	sadd.s32 $0x101200, s0  }
.LBB2_1:
0x1d: {  	s22 =	rddreg [dreg:$0x6];
	s21 =	simm.s32 $0x4  }
0x1e: {  	[tilespmem:s3], [sflag:$0x4] =	stream.linear.gather [hbm4b:s22+s3], $0x40, $0x38;
	[tilespmem:$0x14080] =	vst v63  }
0x1f: {  	_ =	swait.ge [sflag:s21], $0x40  }
0x20: {  	[sflag:s21] =	ssyncset.done $0x0  }
0x21: {  	[sflag:s21] =	ssyncadd.s32 $0xFFFFFFC0  }
0x22: {  	v3 =	vld [tilespmem:$0x0];
	_ =	sdelay $0x4  }
0x23: {  	v4 =	vshll.u32 v3, $0x1  }
0x24: {  	v3 =	vand.u32 $0x7, v3;
	v4 =	vand.u32 $0xFFFFFFF0, v4  }
0x25: {  	v3 =	vor.u32 v3, v4  }
0x26: {  	v4 =	vperm.xlane v3, v0;
	_ =	sdelay $0x1  }
0x27: {  	v3 =	vperm.xlane v3, v2;
	v4 =	vadd.s32 v1, v4;
	_ =	sdelay $0x1  }
0x28: {  	v3 =	vadd.s32 v1, v3;
	_ =	sdelay $0x1  }
0x29: {  	s26 =	simm.s32 $0x10080;
	s1 =	rddreg [dreg:$0x1]  }
0x2a: {  	[tilespmem:s26], [sflag:$0x1] =	stream.indirect_vreg.gather [hbm4b:s1+s3], $0x80, v4, vm0, $0xb8;
	[tilespmem:$0x14080] =	vst v63  }
0x2b: {  	s0 =	rddreg [dreg:$0x10]  }
0x2c: {  	[tilespmem:s0], [sflag:$0x1] =	stream.indirect_vreg.gather [hbm4b:s1+s3], $0x80, v3, vm0, $0xb8;
	[tilespmem:$0x14080] =	vst v63  }
0x2d: {  	v3 =	vld [tilespmem:$0x10];
	_ =	sdelay $0x4  }
0x2e: {  	v53 =	vshll.u32 v3, $0x1  }
0x2f: {  	v3 =	vand.u32 $0x7, v3;
	v4 =	vand.u32 $0xFFFFFFF0, v53  }
0x30: {  	v3 =	vor.u32 v3, v4  }
0x31: {  	v4 =	vperm.xlane v3, v0;
	_ =	sdelay $0x1  }
0x32: {  	v3 =	vperm.xlane v3, v2;
	v4 =	vadd.s32 v1, v4;
	_ =	sdelay $0x1  }
0x33: {  	v3 =	vadd.s32 v1, v3;
	_ =	sdelay $0x1  }
0x34: {  	s24 =	rddreg [dreg:$0x11]  }
0x35: {  	[tilespmem:s24], [sflag:$0x1] =	stream.indirect_vreg.gather [hbm4b:s1+s3], $0x80, v4, vm0, $0xb8;
	[tilespmem:$0x14080] =	vst v63  }
0x36: {  	s25 =	rddreg [dreg:$0x12]  }
0x37: {  	[tilespmem:s25], [sflag:$0x1] =	stream.indirect_vreg.gather [hbm4b:s1+s3], $0x80, v3, vm0, $0xb8;
	[tilespmem:$0x14080] =	vst v63  }
0x38: {  	v3 =	vld [tilespmem:$0x20];
	_ =	sdelay $0x4  }
0x39: {  	v54 =	vshll.u32 v3, $0x1  }
0x3a: {  	v3 =	vand.u32 $0x7, v3;
	v4 =	vand.u32 $0xFFFFFFF0, v54  }
0x3b: {  	v3 =	vor.u32 v3, v4  }
0x3c: {  	v4 =	vperm.xlane v3, v0;
	_ =	sdelay $0x1  }
0x3d: {  	v3 =	vperm.xlane v3, v2;
	v4 =	vadd.s32 v1, v4;
	_ =	sdelay $0x1  }
0x3e: {  	v3 =	vadd.s32 v1, v3;
	_ =	sdelay $0x1  }
0x3f: {  	s28 =	rddreg [dreg:$0x13]  }
0x40: {  	[tilespmem:s28], [sflag:$0x1] =	stream.indirect_vreg.gather [hbm4b:s1+s3], $0x80, v4, vm0, $0xb8;
	[tilespmem:$0x14080] =	vst v63  }
0x41: {  	s29 =	rddreg [dreg:$0x14]  }
0x42: {  	[tilespmem:s29], [sflag:$0x1] =	stream.indirect_vreg.gather [hbm4b:s1+s3], $0x80, v3, vm0, $0xb8;
	[tilespmem:$0x14080] =	vst v63  }
0x43: {  	v3 =	vld [tilespmem:$0x30];
	_ =	sdelay $0x4  }
0x44: {  	v55 =	vshll.u32 v3, $0x1  }
0x45: {  	v3 =	vand.u32 $0x7, v3;
	v4 =	vand.u32 $0xFFFFFFF0, v55  }
0x46: {  	v3 =	vor.u32 v3, v4  }
0x47: {  	v4 =	vperm.xlane v3, v0;
	_ =	sdelay $0x1  }
0x48: {  	v3 =	vperm.xlane v3, v2;
	v4 =	vadd.s32 v1, v4;
	_ =	sdelay $0x1  }
0x49: {  	v3 =	vadd.s32 v1, v3;
	_ =	sdelay $0x1  }
0x4a: {  	s30 =	rddreg [dreg:$0x15]  }
0x4b: {  	[tilespmem:s30], [sflag:$0x1] =	stream.indirect_vreg.gather [hbm4b:s1+s3], $0x80, v4, vm0, $0xb8;
	[tilespmem:$0x14080] =	vst v63  }
0x4c: {  	s0 =	rddreg [dreg:$0x16]  }
0x4d: {  	[tilespmem:s0], [sflag:$0x1] =	stream.indirect_vreg.gather [hbm4b:s1+s3], $0x80, v3, vm0, $0xb8;
	[tilespmem:$0x14080] =	vst v63  }
0x4e: {  	_ =	swait.ge [sflag:s23], $0x4000  }
0x4f: {  	[sflag:s23] =	ssyncset.done $0x0  }
0x50: {  	s24 =	rddreg [dreg:$0x7];
	[sflag:s23] =	ssyncadd.s32 $0xFFFFC000  }
0x51: {  	[hbm4b:s24+s3] =	stream.linear.scatter [tilespmem:s26], [sflag:$0x4], $0x4000, $0x38;
	[tilespmem:$0x14080] =	vst v63  }
0x52: {  	_ =	swait.ge [sflag:s21], $0x4000  }
0x53: {  	[sflag:s21] =	ssyncset.done $0x0  }
0x54: {  	[sflag:s21] =	ssyncadd.s32 $0xFFFFC000  }
0x55: {  	v3 =	vld [tilespmem:$0x0];
	_ =	sdelay $0x4  }
0x56: {  	v56 =	vshll.u32 v3, $0x4  }
0x57: {  	v3 =	vand.u32 $0x7, v3;
	v4 =	vand.u32 $0xFFFFFF80, v56  }
0x58: {  	v3 =	vor.u32 v3, v4  }
0x59: {  	v4 =	vperm.xlane v3, v0;
	_ =	sdelay $0x1  }
0x5a: {  	v4 =	vadd.s32 v1, v4;
	_ =	sdelay $0x3  }
0x5b: {  	s0 =	simm.s32 $0x80  }
0x5c: {  	[tilespmem:s0], [sflag:$0x1] =	stream.indirect_vreg.gather [hbm4b:s4+s3], $0x80, v4, vm0, $0xb8;
	[tilespmem:$0x14080] =	vst v63  }
0x5d: {  	s25 =	simm.s32 $0x880  }
0x5e: {  	[tilespmem:s25], [sflag:$0x1] =	stream.indirect_vreg.gather [hbm4b:s6+s3], $0x80, v4, vm0, $0xb8;
	[tilespmem:$0x14080] =	vst v63  }
0x5f: {  	s26 =	simm.s32 $0x1080  }
0x60: {  	[tilespmem:s26], [sflag:$0x1] =	stream.indirect_vreg.gather [hbm4b:s7+s3], $0x80, v4, vm0, $0xb8;
	[tilespmem:$0x14080] =	vst v63  }
0x61: {  	s28 =	simm.s32 $0x1880  }
0x62: {  	[tilespmem:s28], [sflag:$0x1] =	stream.indirect_vreg.gather [hbm4b:s8+s3], $0x80, v4, vm0, $0xb8;
	[tilespmem:$0x14080] =	vst v63  }
0x63: {  	s29 =	simm.s32 $0x2080  }
0x64: {  	[tilespmem:s29], [sflag:$0x1] =	stream.indirect_vreg.gather [hbm4b:s9+s3], $0x80, v4, vm0, $0xb8;
	[tilespmem:$0x14080] =	vst v63  }
0x65: {  	s30 =	simm.s32 $0x2880;
	v3 =	vperm.xlane v3, v2  }
0x66: {  	[tilespmem:s30], [sflag:$0x1] =	stream.indirect_vreg.gather [hbm4b:s10+s3], $0x80, v4, vm0, $0xb8;
	[tilespmem:$0x14080] =	vst v63  }
0x67: {  	s21 =	simm.s32 $0x3080;
	v3 =	vadd.s32 v1, v3  }
0x68: {  	[tilespmem:s21], [sflag:$0x1] =	stream.indirect_vreg.gather [hbm4b:s11+s3], $0x80, v4, vm0, $0xb8;
	[tilespmem:$0x14080] =	vst v63  }
0x69: {  	s22 =	simm.s32 $0x3880  }
0x6a: {  	[tilespmem:s22], [sflag:$0x1] =	stream.indirect_vreg.gather [hbm4b:s12+s3], $0x80, v4, vm0, $0xb8;
	[tilespmem:$0x14080] =	vst v63  }
0x6b: {  	s24 =	simm.s32 $0x4080  }
0x6c: {  	[tilespmem:s24], [sflag:$0x1] =	stream.indirect_vreg.gather [hbm4b:s4+s3], $0x80, v3, vm0, $0xb8;
	[tilespmem:$0x14080] =	vst v63  }
0x6d: {  	s22 =	simm.s32 $0x4880  }
0x6e: {  	[tilespmem:s22], [sflag:$0x1] =	stream.indirect_vreg.gather [hbm4b:s6+s3], $0x80, v3, vm0, $0xb8;
	[tilespmem:$0x14080] =	vst v63  }
0x6f: {  	s22 =	simm.s32 $0x5080  }
0x70: {  	[tilespmem:s22], [sflag:$0x1] =	stream.indirect_vreg.gather [hbm4b:s7+s3], $0x80, v3, vm0, $0xb8;
	[tilespmem:$0x14080] =	vst v63  }
0x71: {  	s22 =	simm.s32 $0x5880  }
0x72: {  	[tilespmem:s22], [sflag:$0x1] =	stream.indirect_vreg.gather [hbm4b:s8+s3], $0x80, v3, vm0, $0xb8;
	[tilespmem:$0x14080] =	vst v63  }
0x73: {  	s22 =	simm.s32 $0x6080  }
0x74: {  	[tilespmem:s22], [sflag:$0x1] =	stream.indirect_vreg.gather [hbm4b:s9+s3], $0x80, v3, vm0, $0xb8;
	[tilespmem:$0x14080] =	vst v63  }
0x75: {  	s22 =	simm.s32 $0x6880  }
0x76: {  	[tilespmem:s22], [sflag:$0x1] =	stream.indirect_vreg.gather [hbm4b:s10+s3], $0x80, v3, vm0, $0xb8;
	[tilespmem:$0x14080] =	vst v63  }
0x77: {  	s22 =	simm.s32 $0x7080  }
0x78: {  	[tilespmem:s22], [sflag:$0x1] =	stream.indirect_vreg.gather [hbm4b:s11+s3], $0x80, v3, vm0, $0xb8;
	[tilespmem:$0x14080] =	vst v63  }
0x79: {  	s22 =	simm.s32 $0x7880  }
0x7a: {  	[tilespmem:s22], [sflag:$0x1] =	stream.indirect_vreg.gather [hbm4b:s12+s3], $0x80, v3, vm0, $0xb8;
	[tilespmem:$0x14080] =	vst v63  }
0x7b: {  	_ =	swait.ge [sflag:s23], $0x8000  }
0x7c: {  	[sflag:s23] =	ssyncset.done $0x0  }
0x7d: {  	s1 =	rddreg [dreg:$0x8];
	[sflag:s23] =	ssyncadd.s32 $0xFFFF8000  }
0x7e: {  	[hbm4b:s1+s3] =	stream.linear.scatter [tilespmem:s0], [sflag:$0x2], $0x8000, $0x38;
	[tilespmem:$0x14080] =	vst v63  }
0x7f: {  	v3 =	vld [tilespmem:$0x10];
	_ =	sdelay $0x4  }
0x80: {  	v57 =	vshll.u32 v3, $0x4  }
0x81: {  	v3 =	vand.u32 $0x7, v3;
	v4 =	vand.u32 $0xFFFFFF80, v57  }
0x82: {  	v3 =	vor.u32 v3, v4  }
0x83: {  	v4 =	vperm.xlane v3, v0;
	_ =	sdelay $0x1  }
0x84: {  	v4 =	vadd.s32 v1, v4;
	_ =	sdelay $0x3  }
0x85: {  	s1 =	simm.s32 $0x8080  }
0x86: {  	[tilespmem:s1], [sflag:$0x1] =	stream.indirect_vreg.gather [hbm4b:s4+s3], $0x80, v4, vm0, $0xb8;
	[tilespmem:$0x14080] =	vst v63  }
0x87: {  	s22 =	simm.s32 $0x8880  }
0x88: {  	[tilespmem:s22], [sflag:$0x1] =	stream.indirect_vreg.gather [hbm4b:s6+s3], $0x80, v4, vm0, $0xb8;
	[tilespmem:$0x14080] =	vst v63  }
0x89: {  	s22 =	simm.s32 $0x9080  }
0x8a: {  	[tilespmem:s22], [sflag:$0x1] =	stream.indirect_vreg.gather [hbm4b:s7+s3], $0x80, v4, vm0, $0xb8;
	[tilespmem:$0x14080] =	vst v63  }
0x8b: {  	s22 =	simm.s32 $0x9880  }
0x8c: {  	[tilespmem:s22], [sflag:$0x1] =	stream.indirect_vreg.gather [hbm4b:s8+s3], $0x80, v4, vm0, $0xb8;
	[tilespmem:$0x14080] =	vst v63  }
0x8d: {  	s22 =	simm.s32 $0xA080  }
0x8e: {  	[tilespmem:s22], [sflag:$0x1] =	stream.indirect_vreg.gather [hbm4b:s9+s3], $0x80, v4, vm0, $0xb8;
	[tilespmem:$0x14080] =	vst v63  }
0x8f: {  	v3 =	vperm.xlane v3, v2;
	s22 =	simm.s32 $0xA880  }
0x90: {  	[tilespmem:s22], [sflag:$0x1] =	stream.indirect_vreg.gather [hbm4b:s10+s3], $0x80, v4, vm0, $0xb8;
	[tilespmem:$0x14080] =	vst v63  }
0x91: {  	v3 =	vadd.s32 v1, v3;
	s22 =	simm.s32 $0xB080  }
0x92: {  	[tilespmem:s22], [sflag:$0x1] =	stream.indirect_vreg.gather [hbm4b:s11+s3], $0x80, v4, vm0, $0xb8;
	[tilespmem:$0x14080] =	vst v63  }
0x93: {  	s22 =	simm.s32 $0xB880  }
0x94: {  	[tilespmem:s22], [sflag:$0x1] =	stream.indirect_vreg.gather [hbm4b:s12+s3], $0x80, v4, vm0, $0xb8;
	[tilespmem:$0x14080] =	vst v63  }
0x95: {  	s22 =	simm.s32 $0xC080  }
0x96: {  	[tilespmem:s22], [sflag:$0x1] =	stream.indirect_vreg.gather [hbm4b:s4+s3], $0x80, v3, vm0, $0xb8;
	[tilespmem:$0x14080] =	vst v63  }
0x97: {  	s22 =	simm.s32 $0xC880  }
0x98: {  	[tilespmem:s22], [sflag:$0x1] =	stream.indirect_vreg.gather [hbm4b:s6+s3], $0x80, v3, vm0, $0xb8;
	[tilespmem:$0x14080] =	vst v63  }
0x99: {  	s22 =	simm.s32 $0xD080  }
0x9a: {  	[tilespmem:s22], [sflag:$0x1] =	stream.indirect_vreg.gather [hbm4b:s7+s3], $0x80, v3, vm0, $0xb8;
	[tilespmem:$0x14080] =	vst v63  }
0x9b: {  	s22 =	simm.s32 $0xD880  }
0x9c: {  	[tilespmem:s22], [sflag:$0x1] =	stream.indirect_vreg.gather [hbm4b:s8+s3], $0x80, v3, vm0, $0xb8;
	[tilespmem:$0x14080] =	vst v63  }
0x9d: {  	s22 =	simm.s32 $0xE080  }
0x9e: {  	[tilespmem:s22], [sflag:$0x1] =	stream.indirect_vreg.gather [hbm4b:s9+s3], $0x80, v3, vm0, $0xb8;
	[tilespmem:$0x14080] =	vst v63  }
0x9f: {  	s22 =	simm.s32 $0xE880  }
0xa0: {  	[tilespmem:s22], [sflag:$0x1] =	stream.indirect_vreg.gather [hbm4b:s10+s3], $0x80, v3, vm0, $0xb8;
	[tilespmem:$0x14080] =	vst v63  }
0xa1: {  	s22 =	simm.s32 $0xF080  }
0xa2: {  	[tilespmem:s22], [sflag:$0x1] =	stream.indirect_vreg.gather [hbm4b:s11+s3], $0x80, v3, vm0, $0xb8;
	[tilespmem:$0x14080] =	vst v63  }
0xa3: {  	s22 =	simm.s32 $0xF880  }
0xa4: {  	[tilespmem:s22], [sflag:$0x1] =	stream.indirect_vreg.gather [hbm4b:s12+s3], $0x80, v3, vm0, $0xb8;
	[tilespmem:$0x14080] =	vst v63  }
0xa5: {  	_ =	swait.ge [sflag:s23], $0x8000  }
0xa6: {  	[sflag:s23] =	ssyncset.done $0x0  }
0xa7: {  	s22 =	rddreg [dreg:$0x9];
	[sflag:s23] =	ssyncadd.s32 $0xFFFF8000  }
0xa8: {  	[hbm4b:s22+s3] =	stream.linear.scatter [tilespmem:s1], [sflag:$0x3], $0x8000, $0x38;
	[tilespmem:$0x14080] =	vst v63  }
0xa9: {  	_ =	swait.ge [sflag:s31], $0x8000  }
0xaa: {  	[sflag:s31] =	ssyncset.done $0x0  }
0xab: {  	[sflag:s31] =	ssyncadd.s32 $0xFFFF8000  }
0xac: {  	v3 =	vld [tilespmem:$0x20];
	_ =	sdelay $0x4  }
0xad: {  	v58 =	vshll.u32 v3, $0x4  }
0xae: {  	v3 =	vand.u32 $0x7, v3;
	v4 =	vand.u32 $0xFFFFFF80, v58  }
0xaf: {  	v3 =	vor.u32 v3, v4  }
0xb0: {  	v4 =	vperm.xlane v3, v0;
	_ =	sdelay $0x1  }
0xb1: {  	v4 =	vadd.s32 v1, v4;
	_ =	sdelay $0x4  }
0xb2: {  	[tilespmem:s0], [sflag:$0x1] =	stream.indirect_vreg.gather [hbm4b:s4+s3], $0x80, v4, vm0, $0xb8;
	[tilespmem:$0x14080] =	vst v63  }
0xb3: {  	s25 =	simm.s32 $0x880  }
0xb4: {  	[tilespmem:s25], [sflag:$0x1] =	stream.indirect_vreg.gather [hbm4b:s6+s3], $0x80, v4, vm0, $0xb8;
	[tilespmem:$0x14080] =	vst v63  }
0xb5: {  	s26 =	simm.s32 $0x1080  }
0xb6: {  	[tilespmem:s26], [sflag:$0x1] =	stream.indirect_vreg.gather [hbm4b:s7+s3], $0x80, v4, vm0, $0xb8;
	[tilespmem:$0x14080] =	vst v63  }
0xb7: {  	s28 =	simm.s32 $0x1880  }
0xb8: {  	[tilespmem:s28], [sflag:$0x1] =	stream.indirect_vreg.gather [hbm4b:s8+s3], $0x80, v4, vm0, $0xb8;
	[tilespmem:$0x14080] =	vst v63  }
0xb9: {  	s29 =	simm.s32 $0x2080  }
0xba: {  	[tilespmem:s29], [sflag:$0x1] =	stream.indirect_vreg.gather [hbm4b:s9+s3], $0x80, v4, vm0, $0xb8;
	[tilespmem:$0x14080] =	vst v63  }
0xbb: {  	s30 =	simm.s32 $0x2880;
	v3 =	vperm.xlane v3, v2  }
0xbc: {  	[tilespmem:s30], [sflag:$0x1] =	stream.indirect_vreg.gather [hbm4b:s10+s3], $0x80, v4, vm0, $0xb8;
	[tilespmem:$0x14080] =	vst v63  }
0xbd: {  	s21 =	simm.s32 $0x3080;
	v3 =	vadd.s32 v1, v3  }
0xbe: {  	[tilespmem:s21], [sflag:$0x1] =	stream.indirect_vreg.gather [hbm4b:s11+s3], $0x80, v4, vm0, $0xb8;
	[tilespmem:$0x14080] =	vst v63  }
0xbf: {  	s21 =	simm.s32 $0x3880  }
0xc0: {  	[tilespmem:s21], [sflag:$0x1] =	stream.indirect_vreg.gather [hbm4b:s12+s3], $0x80, v4, vm0, $0xb8;
	[tilespmem:$0x14080] =	vst v63  }
0xc1: {  	s24 =	simm.s32 $0x4080  }
0xc2: {  	[tilespmem:s24], [sflag:$0x1] =	stream.indirect_vreg.gather [hbm4b:s4+s3], $0x80, v3, vm0, $0xb8;
	[tilespmem:$0x14080] =	vst v63  }
0xc3: {  	s24 =	simm.s32 $0x4880  }
0xc4: {  	[tilespmem:s24], [sflag:$0x1] =	stream.indirect_vreg.gather [hbm4b:s6+s3], $0x80, v3, vm0, $0xb8;
	[tilespmem:$0x14080] =	vst v63  }
0xc5: {  	s25 =	simm.s32 $0x5080  }
0xc6: {  	[tilespmem:s25], [sflag:$0x1] =	stream.indirect_vreg.gather [hbm4b:s7+s3], $0x80, v3, vm0, $0xb8;
	[tilespmem:$0x14080] =	vst v63  }
0xc7: {  	s26 =	simm.s32 $0x5880  }
0xc8: {  	[tilespmem:s26], [sflag:$0x1] =	stream.indirect_vreg.gather [hbm4b:s8+s3], $0x80, v3, vm0, $0xb8;
	[tilespmem:$0x14080] =	vst v63  }
0xc9: {  	s28 =	simm.s32 $0x6080  }
0xca: {  	[tilespmem:s28], [sflag:$0x1] =	stream.indirect_vreg.gather [hbm4b:s9+s3], $0x80, v3, vm0, $0xb8;
	[tilespmem:$0x14080] =	vst v63  }
0xcb: {  	s29 =	simm.s32 $0x6880  }
0xcc: {  	[tilespmem:s29], [sflag:$0x1] =	stream.indirect_vreg.gather [hbm4b:s10+s3], $0x80, v3, vm0, $0xb8;
	[tilespmem:$0x14080] =	vst v63  }
0xcd: {  	s30 =	simm.s32 $0x7080  }
0xce: {  	[tilespmem:s30], [sflag:$0x1] =	stream.indirect_vreg.gather [hbm4b:s11+s3], $0x80, v3, vm0, $0xb8;
	[tilespmem:$0x14080] =	vst v63  }
0xcf: {  	s22 =	simm.s32 $0x7880  }
0xd0: {  	[tilespmem:s22], [sflag:$0x1] =	stream.indirect_vreg.gather [hbm4b:s12+s3], $0x80, v3, vm0, $0xb8;
	[tilespmem:$0x14080] =	vst v63  }
0xd1: {  	_ =	swait.ge [sflag:s23], $0x8000  }
0xd2: {  	[sflag:s23] =	ssyncset.done $0x0  }
0xd3: {  	s22 =	rddreg [dreg:$0xa];
	[sflag:s23] =	ssyncadd.s32 $0xFFFF8000  }
0xd4: {  	[hbm4b:s22+s3] =	stream.linear.scatter [tilespmem:s0], [sflag:$0x2], $0x8000, $0x38;
	[tilespmem:$0x14080] =	vst v63  }
0xd5: {  	_ =	swait.ge [sflag:s2], $0x8000  }
0xd6: {  	[sflag:s2] =	ssyncset.done $0x0  }
0xd7: {  	[sflag:s2] =	ssyncadd.s32 $0xFFFF8000  }
0xd8: {  	v3 =	vld [tilespmem:$0x30];
	_ =	sdelay $0x4  }
0xd9: {  	v59 =	vshll.u32 v3, $0x4  }
0xda: {  	v3 =	vand.u32 $0x7, v3;
	v4 =	vand.u32 $0xFFFFFF80, v59  }
0xdb: {  	v3 =	vor.u32 v3, v4  }
0xdc: {  	v4 =	vperm.xlane v3, v0;
	_ =	sdelay $0x1  }
0xdd: {  	v4 =	vadd.s32 v1, v4;
	_ =	sdelay $0x4  }
0xde: {  	[tilespmem:s1], [sflag:$0x1] =	stream.indirect_vreg.gather [hbm4b:s4+s3], $0x80, v4, vm0, $0xb8;
	[tilespmem:$0x14080] =	vst v63  }
0xdf: {  	s22 =	simm.s32 $0x8880  }
0xe0: {  	[tilespmem:s22], [sflag:$0x1] =	stream.indirect_vreg.gather [hbm4b:s6+s3], $0x80, v4, vm0, $0xb8;
	[tilespmem:$0x14080] =	vst v63  }
0xe1: {  	s22 =	simm.s32 $0x9080  }
0xe2: {  	[tilespmem:s22], [sflag:$0x1] =	stream.indirect_vreg.gather [hbm4b:s7+s3], $0x80, v4, vm0, $0xb8;
	[tilespmem:$0x14080] =	vst v63  }
0xe3: {  	s22 =	simm.s32 $0x9880  }
0xe4: {  	[tilespmem:s22], [sflag:$0x1] =	stream.indirect_vreg.gather [hbm4b:s8+s3], $0x80, v4, vm0, $0xb8;
	[tilespmem:$0x14080] =	vst v63  }
0xe5: {  	s22 =	simm.s32 $0xA080  }
0xe6: {  	[tilespmem:s22], [sflag:$0x1] =	stream.indirect_vreg.gather [hbm4b:s9+s3], $0x80, v4, vm0, $0xb8;
	[tilespmem:$0x14080] =	vst v63  }
0xe7: {  	v3 =	vperm.xlane v3, v2;
	s22 =	simm.s32 $0xA880  }
0xe8: {  	[tilespmem:s22], [sflag:$0x1] =	stream.indirect_vreg.gather [hbm4b:s10+s3], $0x80, v4, vm0, $0xb8;
	[tilespmem:$0x14080] =	vst v63  }
0xe9: {  	v3 =	vadd.s32 v1, v3;
	s22 =	simm.s32 $0xB080  }
0xea: {  	[tilespmem:s22], [sflag:$0x1] =	stream.indirect_vreg.gather [hbm4b:s11+s3], $0x80, v4, vm0, $0xb8;
	[tilespmem:$0x14080] =	vst v63  }
0xeb: {  	s22 =	simm.s32 $0xB880  }
0xec: {  	[tilespmem:s22], [sflag:$0x1] =	stream.indirect_vreg.gather [hbm4b:s12+s3], $0x80, v4, vm0, $0xb8;
	[tilespmem:$0x14080] =	vst v63  }
0xed: {  	s22 =	simm.s32 $0xC080  }
0xee: {  	[tilespmem:s22], [sflag:$0x1] =	stream.indirect_vreg.gather [hbm4b:s4+s3], $0x80, v3, vm0, $0xb8;
	[tilespmem:$0x14080] =	vst v63  }
0xef: {  	s22 =	simm.s32 $0xC880  }
0xf0: {  	[tilespmem:s22], [sflag:$0x1] =	stream.indirect_vreg.gather [hbm4b:s6+s3], $0x80, v3, vm0, $0xb8;
	[tilespmem:$0x14080] =	vst v63  }
0xf1: {  	s22 =	simm.s32 $0xD080  }
0xf2: {  	[tilespmem:s22], [sflag:$0x1] =	stream.indirect_vreg.gather [hbm4b:s7+s3], $0x80, v3, vm0, $0xb8;
	[tilespmem:$0x14080] =	vst v63  }
0xf3: {  	s22 =	simm.s32 $0xD880  }
0xf4: {  	[tilespmem:s22], [sflag:$0x1] =	stream.indirect_vreg.gather [hbm4b:s8+s3], $0x80, v3, vm0, $0xb8;
	[tilespmem:$0x14080] =	vst v63  }
0xf5: {  	s22 =	simm.s32 $0xE080  }
0xf6: {  	[tilespmem:s22], [sflag:$0x1] =	stream.indirect_vreg.gather [hbm4b:s9+s3], $0x80, v3, vm0, $0xb8;
	[tilespmem:$0x14080] =	vst v63  }
0xf7: {  	s22 =	simm.s32 $0xE880  }
0xf8: {  	[tilespmem:s22], [sflag:$0x1] =	stream.indirect_vreg.gather [hbm4b:s10+s3], $0x80, v3, vm0, $0xb8;
	[tilespmem:$0x14080] =	vst v63  }
0xf9: {  	s22 =	simm.s32 $0xF080  }
0xfa: {  	[tilespmem:s22], [sflag:$0x1] =	stream.indirect_vreg.gather [hbm4b:s11+s3], $0x80, v3, vm0, $0xb8;
	[tilespmem:$0x14080] =	vst v63  }
0xfb: {  	s22 =	simm.s32 $0xF880  }
0xfc: {  	[tilespmem:s22], [sflag:$0x1] =	stream.indirect_vreg.gather [hbm4b:s12+s3], $0x80, v3, vm0, $0xb8;
	[tilespmem:$0x14080] =	vst v63  }
0xfd: {  	_ =	swait.ge [sflag:s23], $0x8000  }
0xfe: {  	[sflag:s23] =	ssyncset.done $0x0  }
0xff: {  	s22 =	rddreg [dreg:$0xb];
	[sflag:s23] =	ssyncadd.s32 $0xFFFF8000  }
0x100: {  	[hbm4b:s22+s3] =	stream.linear.scatter [tilespmem:s1], [sflag:$0x3], $0x8000, $0x38;
	[tilespmem:$0x14080] =	vst v63  }
0x101: {  	_ =	swait.ge [sflag:s31], $0x8000  }
0x102: {  	[sflag:s31] =	ssyncset.done $0x0  }
0x103: {  	[sflag:s31] =	ssyncadd.s32 $0xFFFF8000  }
0x104: {  	v3 =	vld [tilespmem:$0x0];
	_ =	sdelay $0x4  }
0x105: {  	v60 =	vshll.u32 v3, $0x4  }
0x106: {  	v3 =	vand.u32 $0x7, v3;
	v4 =	vand.u32 $0xFFFFFF80, v60  }
0x107: {  	v3 =	vor.u32 v3, v4  }
0x108: {  	v4 =	vperm.xlane v3, v0;
	_ =	sdelay $0x1  }
0x109: {  	v4 =	vadd.s32 v1, v4;
	_ =	sdelay $0x4  }
0x10a: {  	[tilespmem:s0], [sflag:$0x1] =	stream.indirect_vreg.gather [hbm4b:s5+s3], $0x80, v4, vm0, $0xb8;
	[tilespmem:$0x14080] =	vst v63  }
0x10b: {  	s22 =	simm.s32 $0x880  }
0x10c: {  	[tilespmem:s22], [sflag:$0x1] =	stream.indirect_vreg.gather [hbm4b:s13+s3], $0x80, v4, vm0, $0xb8;
	[tilespmem:$0x14080] =	vst v63  }
0x10d: {  	s22 =	simm.s32 $0x1080  }
0x10e: {  	[tilespmem:s22], [sflag:$0x1] =	stream.indirect_vreg.gather [hbm4b:s14+s3], $0x80, v4, vm0, $0xb8;
	[tilespmem:$0x14080] =	vst v63  }
0x10f: {  	s22 =	simm.s32 $0x1880  }
0x110: {  	[tilespmem:s22], [sflag:$0x1] =	stream.indirect_vreg.gather [hbm4b:s15+s3], $0x80, v4, vm0, $0xb8;
	[tilespmem:$0x14080] =	vst v63  }
0x111: {  	s22 =	simm.s32 $0x2080  }
0x112: {  	[tilespmem:s22], [sflag:$0x1] =	stream.indirect_vreg.gather [hbm4b:s16+s3], $0x80, v4, vm0, $0xb8;
	[tilespmem:$0x14080] =	vst v63  }
0x113: {  	v3 =	vperm.xlane v3, v2;
	s22 =	simm.s32 $0x2880  }
0x114: {  	[tilespmem:s22], [sflag:$0x1] =	stream.indirect_vreg.gather [hbm4b:s17+s3], $0x80, v4, vm0, $0xb8;
	[tilespmem:$0x14080] =	vst v63  }
0x115: {  	v3 =	vadd.s32 v1, v3;
	s22 =	simm.s32 $0x3080  }
0x116: {  	[tilespmem:s22], [sflag:$0x1] =	stream.indirect_vreg.gather [hbm4b:s18+s3], $0x80, v4, vm0, $0xb8;
	[tilespmem:$0x14080] =	vst v63  }
0x117: {  	_ = 	snop  }
0x118: {  	[tilespmem:s21], [sflag:$0x1] =	stream.indirect_vreg.gather [hbm4b:s19+s3], $0x80, v4, vm0, $0xb8;
	[tilespmem:$0x14080] =	vst v63  }
0x119: {  	s22 =	simm.s32 $0x4080  }
0x11a: {  	[tilespmem:s22], [sflag:$0x1] =	stream.indirect_vreg.gather [hbm4b:s5+s3], $0x80, v3, vm0, $0xb8;
	[tilespmem:$0x14080] =	vst v63  }
0x11b: {  	_ = 	snop  }
0x11c: {  	[tilespmem:s24], [sflag:$0x1] =	stream.indirect_vreg.gather [hbm4b:s13+s3], $0x80, v3, vm0, $0xb8;
	[tilespmem:$0x14080] =	vst v63  }
0x11d: {  	_ = 	snop  }
0x11e: {  	[tilespmem:s25], [sflag:$0x1] =	stream.indirect_vreg.gather [hbm4b:s14+s3], $0x80, v3, vm0, $0xb8;
	[tilespmem:$0x14080] =	vst v63  }
0x11f: {  	_ = 	snop  }
0x120: {  	[tilespmem:s26], [sflag:$0x1] =	stream.indirect_vreg.gather [hbm4b:s15+s3], $0x80, v3, vm0, $0xb8;
	[tilespmem:$0x14080] =	vst v63  }
0x121: {  	_ = 	snop  }
0x122: {  	[tilespmem:s28], [sflag:$0x1] =	stream.indirect_vreg.gather [hbm4b:s16+s3], $0x80, v3, vm0, $0xb8;
	[tilespmem:$0x14080] =	vst v63  }
0x123: {  	_ = 	snop  }
0x124: {  	[tilespmem:s29], [sflag:$0x1] =	stream.indirect_vreg.gather [hbm4b:s17+s3], $0x80, v3, vm0, $0xb8;
	[tilespmem:$0x14080] =	vst v63  }
0x125: {  	_ = 	snop  }
0x126: {  	[tilespmem:s30], [sflag:$0x1] =	stream.indirect_vreg.gather [hbm4b:s18+s3], $0x80, v3, vm0, $0xb8;
	[tilespmem:$0x14080] =	vst v63  }
0x127: {  	s22 =	simm.s32 $0x7880  }
0x128: {  	[tilespmem:s22], [sflag:$0x1] =	stream.indirect_vreg.gather [hbm4b:s19+s3], $0x80, v3, vm0, $0xb8;
	[tilespmem:$0x14080] =	vst v63  }
0x129: {  	_ =	swait.ge [sflag:s23], $0x8000  }
0x12a: {  	[sflag:s23] =	ssyncset.done $0x0  }
0x12b: {  	s22 =	rddreg [dreg:$0xc];
	[sflag:s23] =	ssyncadd.s32 $0xFFFF8000  }
0x12c: {  	[hbm4b:s22+s3] =	stream.linear.scatter [tilespmem:s0], [sflag:$0x2], $0x8000, $0x38;
	[tilespmem:$0x14080] =	vst v63  }
0x12d: {  	_ =	swait.ge [sflag:s2], $0x8000  }
0x12e: {  	[sflag:s2] =	ssyncset.done $0x0  }
0x12f: {  	[sflag:s2] =	ssyncadd.s32 $0xFFFF8000  }
0x130: {  	v3 =	vld [tilespmem:$0x10];
	_ =	sdelay $0x4  }
0x131: {  	v61 =	vshll.u32 v3, $0x4  }
0x132: {  	v3 =	vand.u32 $0x7, v3;
	v4 =	vand.u32 $0xFFFFFF80, v61  }
0x133: {  	v3 =	vor.u32 v3, v4  }
0x134: {  	v4 =	vperm.xlane v3, v0;
	_ =	sdelay $0x1  }
0x135: {  	v4 =	vadd.s32 v1, v4;
	_ =	sdelay $0x4  }
0x136: {  	[tilespmem:s1], [sflag:$0x1] =	stream.indirect_vreg.gather [hbm4b:s5+s3], $0x80, v4, vm0, $0xb8;
	[tilespmem:$0x14080] =	vst v63  }
0x137: {  	s22 =	simm.s32 $0x8880  }
0x138: {  	[tilespmem:s22], [sflag:$0x1] =	stream.indirect_vreg.gather [hbm4b:s13+s3], $0x80, v4, vm0, $0xb8;
	[tilespmem:$0x14080] =	vst v63  }
0x139: {  	s22 =	simm.s32 $0x9080  }
0x13a: {  	[tilespmem:s22], [sflag:$0x1] =	stream.indirect_vreg.gather [hbm4b:s14+s3], $0x80, v4, vm0, $0xb8;
	[tilespmem:$0x14080] =	vst v63  }
0x13b: {  	s22 =	simm.s32 $0x9880  }
0x13c: {  	[tilespmem:s22], [sflag:$0x1] =	stream.indirect_vreg.gather [hbm4b:s15+s3], $0x80, v4, vm0, $0xb8;
	[tilespmem:$0x14080] =	vst v63  }
0x13d: {  	s22 =	simm.s32 $0xA080  }
0x13e: {  	[tilespmem:s22], [sflag:$0x1] =	stream.indirect_vreg.gather [hbm4b:s16+s3], $0x80, v4, vm0, $0xb8;
	[tilespmem:$0x14080] =	vst v63  }
0x13f: {  	v3 =	vperm.xlane v3, v2;
	s22 =	simm.s32 $0xA880  }
0x140: {  	[tilespmem:s22], [sflag:$0x1] =	stream.indirect_vreg.gather [hbm4b:s17+s3], $0x80, v4, vm0, $0xb8;
	[tilespmem:$0x14080] =	vst v63  }
0x141: {  	v3 =	vadd.s32 v1, v3;
	s22 =	simm.s32 $0xB080  }
0x142: {  	[tilespmem:s22], [sflag:$0x1] =	stream.indirect_vreg.gather [hbm4b:s18+s3], $0x80, v4, vm0, $0xb8;
	[tilespmem:$0x14080] =	vst v63  }
0x143: {  	s22 =	simm.s32 $0xB880  }
0x144: {  	[tilespmem:s22], [sflag:$0x1] =	stream.indirect_vreg.gather [hbm4b:s19+s3], $0x80, v4, vm0, $0xb8;
	[tilespmem:$0x14080] =	vst v63  }
0x145: {  	s22 =	simm.s32 $0xC080  }
0x146: {  	[tilespmem:s22], [sflag:$0x1] =	stream.indirect_vreg.gather [hbm4b:s5+s3], $0x80, v3, vm0, $0xb8;
	[tilespmem:$0x14080] =	vst v63  }
0x147: {  	s22 =	simm.s32 $0xC880  }
0x148: {  	[tilespmem:s22], [sflag:$0x1] =	stream.indirect_vreg.gather [hbm4b:s13+s3], $0x80, v3, vm0, $0xb8;
	[tilespmem:$0x14080] =	vst v63  }
0x149: {  	s22 =	simm.s32 $0xD080  }
0x14a: {  	[tilespmem:s22], [sflag:$0x1] =	stream.indirect_vreg.gather [hbm4b:s14+s3], $0x80, v3, vm0, $0xb8;
	[tilespmem:$0x14080] =	vst v63  }
0x14b: {  	s22 =	simm.s32 $0xD880  }
0x14c: {  	[tilespmem:s22], [sflag:$0x1] =	stream.indirect_vreg.gather [hbm4b:s15+s3], $0x80, v3, vm0, $0xb8;
	[tilespmem:$0x14080] =	vst v63  }
0x14d: {  	s22 =	simm.s32 $0xE080  }
0x14e: {  	[tilespmem:s22], [sflag:$0x1] =	stream.indirect_vreg.gather [hbm4b:s16+s3], $0x80, v3, vm0, $0xb8;
	[tilespmem:$0x14080] =	vst v63  }
0x14f: {  	s22 =	simm.s32 $0xE880  }
0x150: {  	[tilespmem:s22], [sflag:$0x1] =	stream.indirect_vreg.gather [hbm4b:s17+s3], $0x80, v3, vm0, $0xb8;
	[tilespmem:$0x14080] =	vst v63  }
0x151: {  	s22 =	simm.s32 $0xF080  }
0x152: {  	[tilespmem:s22], [sflag:$0x1] =	stream.indirect_vreg.gather [hbm4b:s18+s3], $0x80, v3, vm0, $0xb8;
	[tilespmem:$0x14080] =	vst v63  }
0x153: {  	s22 =	simm.s32 $0xF880  }
0x154: {  	[tilespmem:s22], [sflag:$0x1] =	stream.indirect_vreg.gather [hbm4b:s19+s3], $0x80, v3, vm0, $0xb8;
	[tilespmem:$0x14080] =	vst v63  }
0x155: {  	_ =	swait.ge [sflag:s23], $0x8000  }
0x156: {  	[sflag:s23] =	ssyncset.done $0x0  }
0x157: {  	s22 =	rddreg [dreg:$0xd];
	[sflag:s23] =	ssyncadd.s32 $0xFFFF8000  }
0x158: {  	[hbm4b:s22+s3] =	stream.linear.scatter [tilespmem:s1], [sflag:$0x3], $0x8000, $0x38;
	[tilespmem:$0x14080] =	vst v63  }
0x159: {  	_ =	swait.ge [sflag:s31], $0x8000  }
0x15a: {  	[sflag:s31] =	ssyncset.done $0x0  }
0x15b: {  	[sflag:s31] =	ssyncadd.s32 $0xFFFF8000  }
0x15c: {  	v3 =	vld [tilespmem:$0x20];
	_ =	sdelay $0x4  }
0x15d: {  	v62 =	vshll.u32 v3, $0x4  }
0x15e: {  	v3 =	vand.u32 $0x7, v3;
	v4 =	vand.u32 $0xFFFFFF80, v62  }
0x15f: {  	v3 =	vor.u32 v3, v4  }
0x160: {  	v4 =	vperm.xlane v3, v0;
	_ =	sdelay $0x1  }
0x161: {  	v4 =	vadd.s32 v1, v4;
	_ =	sdelay $0x4  }
0x162: {  	[tilespmem:s0], [sflag:$0x1] =	stream.indirect_vreg.gather [hbm4b:s5+s3], $0x80, v4, vm0, $0xb8;
	[tilespmem:$0x14080] =	vst v63  }
0x163: {  	s22 =	simm.s32 $0x880  }
0x164: {  	[tilespmem:s22], [sflag:$0x1] =	stream.indirect_vreg.gather [hbm4b:s13+s3], $0x80, v4, vm0, $0xb8;
	[tilespmem:$0x14080] =	vst v63  }
0x165: {  	s22 =	simm.s32 $0x1080  }
0x166: {  	[tilespmem:s22], [sflag:$0x1] =	stream.indirect_vreg.gather [hbm4b:s14+s3], $0x80, v4, vm0, $0xb8;
	[tilespmem:$0x14080] =	vst v63  }
0x167: {  	s22 =	simm.s32 $0x1880  }
0x168: {  	[tilespmem:s22], [sflag:$0x1] =	stream.indirect_vreg.gather [hbm4b:s15+s3], $0x80, v4, vm0, $0xb8;
	[tilespmem:$0x14080] =	vst v63  }
0x169: {  	s22 =	simm.s32 $0x2080  }
0x16a: {  	[tilespmem:s22], [sflag:$0x1] =	stream.indirect_vreg.gather [hbm4b:s16+s3], $0x80, v4, vm0, $0xb8;
	[tilespmem:$0x14080] =	vst v63  }
0x16b: {  	v3 =	vperm.xlane v3, v2;
	s22 =	simm.s32 $0x2880  }
0x16c: {  	[tilespmem:s22], [sflag:$0x1] =	stream.indirect_vreg.gather [hbm4b:s17+s3], $0x80, v4, vm0, $0xb8;
	[tilespmem:$0x14080] =	vst v63  }
0x16d: {  	v3 =	vadd.s32 v1, v3;
	s22 =	simm.s32 $0x3080  }
0x16e: {  	[tilespmem:s22], [sflag:$0x1] =	stream.indirect_vreg.gather [hbm4b:s18+s3], $0x80, v4, vm0, $0xb8;
	[tilespmem:$0x14080] =	vst v63  }
0x16f: {  	s21 =	simm.s32 $0x3880  }
0x170: {  	[tilespmem:s21], [sflag:$0x1] =	stream.indirect_vreg.gather [hbm4b:s19+s3], $0x80, v4, vm0, $0xb8;
	[tilespmem:$0x14080] =	vst v63  }
0x171: {  	s22 =	simm.s32 $0x4080  }
0x172: {  	[tilespmem:s22], [sflag:$0x1] =	stream.indirect_vreg.gather [hbm4b:s5+s3], $0x80, v3, vm0, $0xb8;
	[tilespmem:$0x14080] =	vst v63  }
0x173: {  	s24 =	simm.s32 $0x4880  }
0x174: {  	[tilespmem:s24], [sflag:$0x1] =	stream.indirect_vreg.gather [hbm4b:s13+s3], $0x80, v3, vm0, $0xb8;
	[tilespmem:$0x14080] =	vst v63  }
0x175: {  	s25 =	simm.s32 $0x5080  }
0x176: {  	[tilespmem:s25], [sflag:$0x1] =	stream.indirect_vreg.gather [hbm4b:s14+s3], $0x80, v3, vm0, $0xb8;
	[tilespmem:$0x14080] =	vst v63  }
0x177: {  	s26 =	simm.s32 $0x5880  }
0x178: {  	[tilespmem:s26], [sflag:$0x1] =	stream.indirect_vreg.gather [hbm4b:s15+s3], $0x80, v3, vm0, $0xb8;
	[tilespmem:$0x14080] =	vst v63  }
0x179: {  	s28 =	simm.s32 $0x6080  }
0x17a: {  	[tilespmem:s28], [sflag:$0x1] =	stream.indirect_vreg.gather [hbm4b:s16+s3], $0x80, v3, vm0, $0xb8;
	[tilespmem:$0x14080] =	vst v63  }
0x17b: {  	s29 =	simm.s32 $0x6880  }
0x17c: {  	[tilespmem:s29], [sflag:$0x1] =	stream.indirect_vreg.gather [hbm4b:s17+s3], $0x80, v3, vm0, $0xb8;
	[tilespmem:$0x14080] =	vst v63  }
0x17d: {  	s30 =	simm.s32 $0x7080  }
0x17e: {  	[tilespmem:s30], [sflag:$0x1] =	stream.indirect_vreg.gather [hbm4b:s18+s3], $0x80, v3, vm0, $0xb8;
	[tilespmem:$0x14080] =	vst v63  }
0x17f: {  	s29 =	simm.s32 $0x7880  }
0x180: {  	[tilespmem:s29], [sflag:$0x1] =	stream.indirect_vreg.gather [hbm4b:s19+s3], $0x80, v3, vm0, $0xb8;
	[tilespmem:$0x14080] =	vst v63  }
0x181: {  	_ =	swait.ge [sflag:s23], $0x8000  }
0x182: {  	[sflag:s23] =	ssyncset.done $0x0  }
0x183: {  	s30 =	rddreg [dreg:$0xe];
	[sflag:s23] =	ssyncadd.s32 $0xFFFF8000  }
0x184: {  	[hbm4b:s30+s3] =	stream.linear.scatter [tilespmem:s0], [sflag:$0x2], $0x8000, $0x38;
	[tilespmem:$0x14080] =	vst v63  }
0x185: {  	_ =	swait.ge [sflag:s2], $0x8000  }
0x186: {  	[sflag:s2] =	ssyncset.done $0x0  }
0x187: {  	[sflag:s2] =	ssyncadd.s32 $0xFFFF8000  }
0x188: {  	v3 =	vld [tilespmem:$0x30];
	_ =	sdelay $0x4  }
0x189: {  	v63 =	vshll.u32 v3, $0x4  }
0x18a: {  	v3 =	vand.u32 $0x7, v3;
	v4 =	vand.u32 $0xFFFFFF80, v63  }
0x18b: {  	v3 =	vor.u32 v3, v4  }
0x18c: {  	v4 =	vperm.xlane v3, v0;
	_ =	sdelay $0x1  }
0x18d: {  	v4 =	vadd.s32 v1, v4;
	_ =	sdelay $0x4  }
0x18e: {  	[tilespmem:s1], [sflag:$0x1] =	stream.indirect_vreg.gather [hbm4b:s5+s3], $0x80, v4, vm0, $0xb8;
	[tilespmem:$0x14080] =	vst v63  }
0x18f: {  	s21 =	simm.s32 $0x8880  }
0x190: {  	[tilespmem:s21], [sflag:$0x1] =	stream.indirect_vreg.gather [hbm4b:s13+s3], $0x80, v4, vm0, $0xb8;
	[tilespmem:$0x14080] =	vst v63  }
0x191: {  	s22 =	simm.s32 $0x9080  }
0x192: {  	[tilespmem:s22], [sflag:$0x1] =	stream.indirect_vreg.gather [hbm4b:s14+s3], $0x80, v4, vm0, $0xb8;
	[tilespmem:$0x14080] =	vst v63  }
0x193: {  	s24 =	simm.s32 $0x9880  }
0x194: {  	[tilespmem:s24], [sflag:$0x1] =	stream.indirect_vreg.gather [hbm4b:s15+s3], $0x80, v4, vm0, $0xb8;
	[tilespmem:$0x14080] =	vst v63  }
0x195: {  	s25 =	simm.s32 $0xA080  }
0x196: {  	[tilespmem:s25], [sflag:$0x1] =	stream.indirect_vreg.gather [hbm4b:s16+s3], $0x80, v4, vm0, $0xb8;
	[tilespmem:$0x14080] =	vst v63  }
0x197: {  	s26 =	simm.s32 $0xA880;
	v3 =	vperm.xlane v3, v2  }
0x198: {  	[tilespmem:s26], [sflag:$0x1] =	stream.indirect_vreg.gather [hbm4b:s17+s3], $0x80, v4, vm0, $0xb8;
	[tilespmem:$0x14080] =	vst v63  }
0x199: {  	s28 =	simm.s32 $0xB080;
	v3 =	vadd.s32 v1, v3  }
0x19a: {  	[tilespmem:s28], [sflag:$0x1] =	stream.indirect_vreg.gather [hbm4b:s18+s3], $0x80, v4, vm0, $0xb8;
	[tilespmem:$0x14080] =	vst v63  }
0x19b: {  	s29 =	simm.s32 $0xB880  }
0x19c: {  	[tilespmem:s29], [sflag:$0x1] =	stream.indirect_vreg.gather [hbm4b:s19+s3], $0x80, v4, vm0, $0xb8;
	[tilespmem:$0x14080] =	vst v63  }
0x19d: {  	s30 =	simm.s32 $0xC080  }
0x19e: {  	[tilespmem:s30], [sflag:$0x1] =	stream.indirect_vreg.gather [hbm4b:s5+s3], $0x80, v3, vm0, $0xb8;
	[tilespmem:$0x14080] =	vst v63  }
0x19f: {  	s21 =	simm.s32 $0xC880  }
0x1a0: {  	[tilespmem:s21], [sflag:$0x1] =	stream.indirect_vreg.gather [hbm4b:s13+s3], $0x80, v3, vm0, $0xb8;
	[tilespmem:$0x14080] =	vst v63  }
0x1a1: {  	s22 =	simm.s32 $0xD080  }
0x1a2: {  	[tilespmem:s22], [sflag:$0x1] =	stream.indirect_vreg.gather [hbm4b:s14+s3], $0x80, v3, vm0, $0xb8;
	[tilespmem:$0x14080] =	vst v63  }
0x1a3: {  	s24 =	simm.s32 $0xD880  }
0x1a4: {  	[tilespmem:s24], [sflag:$0x1] =	stream.indirect_vreg.gather [hbm4b:s15+s3], $0x80, v3, vm0, $0xb8;
	[tilespmem:$0x14080] =	vst v63  }
0x1a5: {  	s25 =	simm.s32 $0xE080  }
0x1a6: {  	[tilespmem:s25], [sflag:$0x1] =	stream.indirect_vreg.gather [hbm4b:s16+s3], $0x80, v3, vm0, $0xb8;
	[tilespmem:$0x14080] =	vst v63  }
0x1a7: {  	s26 =	simm.s32 $0xE880  }
0x1a8: {  	[tilespmem:s26], [sflag:$0x1] =	stream.indirect_vreg.gather [hbm4b:s17+s3], $0x80, v3, vm0, $0xb8;
	[tilespmem:$0x14080] =	vst v63  }
0x1a9: {  	s28 =	simm.s32 $0xF080  }
0x1aa: {  	[tilespmem:s28], [sflag:$0x1] =	stream.indirect_vreg.gather [hbm4b:s18+s3], $0x80, v3, vm0, $0xb8;
	[tilespmem:$0x14080] =	vst v63  }
0x1ab: {  	s29 =	simm.s32 $0xF880  }
0x1ac: {  	[tilespmem:s29], [sflag:$0x1] =	stream.indirect_vreg.gather [hbm4b:s19+s3], $0x80, v3, vm0, $0xb8;
	[tilespmem:$0x14080] =	vst v63  }
0x1ad: {  	_ =	swait.ge [sflag:s23], $0x8000  }
0x1ae: {  	[sflag:s23] =	ssyncset.done $0x0  }
0x1af: {  	s30 =	rddreg [dreg:$0xf];
	[sflag:s23] =	ssyncadd.s32 $0xFFFF8000  }
0x1b0: {  	[hbm4b:s30+s3] =	stream.linear.scatter [tilespmem:s1], [sflag:$0x3], $0x8000, $0x38;
	[tilespmem:$0x14080] =	vst v63  }
0x1b1: {  	p0 =	sne.s32 s20, $0x1;
	_ =	swait.ge [sflag:s31], $0x8000  }
.Ltmp0:
0x1b2: {  	[sflag:s31] =	ssyncset.done $0x0;
	(pc) =	sbr.rel @p0 .LBB2_1-.Ltmp0, $4  }
0x1b3: {  	[sflag:s31] =	ssyncadd.s32 $0xFFFF8000  }
0x1b4: {  	_ =	swait.ge [sflag:s2], $0x8000  }
0x1b5: {  	[sflag:s2] =	ssyncset.done $0x0  }
0x1b6: {  	s20 =	sadd.s32 $0xFFFFFFFF, s20;
	[sflag:s2] =	ssyncadd.s32 $0xFFFF8000  }
0x1b7: {  	_ =	sfence.sel $0x180000  }
0x1b8: {  	[bflag:$0x0] =	sbarrier.arrive $0xFFFF  }
0x1b9: {  	_ =	strace $0x90000047  }
0x1ba: {  	s0 =	stileid.u32;
	[bflag:$0x2] =	sbarrier.arrive $0xFFFF  }
0x1bb: {  	p0 =	sne.s32 s0, $0x0;
	s0 =	rddreg [dreg:$0x5]  }
0x1bc: {  	s0 =	sadd.s32 @!p0 $0x100000, s0  }
0x1bd: {  	[sflag:s0] =	ssyncadd.tile.s32 @!p0 $0x1;
	_ =	shalt  }
.Lfunc_end2:
_tile_overlayer_lowered:
.L_overlay_start_2:
0x1be: {  	(tag) =	ssettag $0x2  }
0x1bf: {  	s0 =	rddreg [dreg:$0x0];
	s2 =	stileid.u32  }
0x1c0: {  	s1 =	rddreg [dreg:$0x1];
	p0 =	sne.s32 s2, $0x0  }
0x1c1: {  	s3 =	rddreg [dreg:$0x2];
	[bflag:$0x3] =	sbarrier.arrive $0xFFFF;
	s2 =	simm.s32 @!p0 $0x1C04  }
0x1c2: {  	[timem:s3], [sflag:s2] =	dma.local @!p0 [hbm:s0], s1  }
0x1c3: {  	s0 =	simm.s32 @!p0 $0x4  }
0x1c4: {  	_ =	swait.ge @!p0 [sflag:s0], s1  }
0x1c5: {  	s1 =	ssub.s32 @!p0 $0x0, s1;
	[sflag:s0] =	ssyncset.done @!p0 $0x0  }
0x1c6: {  	[sflag:s0] =	ssyncadd.s32 @!p0 s1  }
0x1c7: {  	[bflag:$0x3] =	sbarrier.arrive $0xFFFF  }
0x1c8: {  	_ =	shalt  }

</sc_bundles>
